<compile_context>
chip_gen: v7x
topology: tpu7x:2x2x1
jax: 0.10.2.dev20260603
libtpu: 0.0.44.dev20260713+nightly
codegen_flags: <defaults>
</compile_context>

<pallas_src>
import functools

import jax
import jax.numpy as jnp
from jax import lax
from jax.experimental import pallas as pl
from jax.experimental.pallas import tpu as pltpu
from jax.experimental.pallas import tpu_sc as plsc

B, L = 4096, 200
DIM = 64
DIM_PAD = 128
HIDDEN = 1000
OUT_PAD = 128
NC, NS = 2, 16
NW = NC * NS
SPT = B // NW
HALF = L // 2
LANES = 16
NCHUNK = DIM // LANES


def _sc_embed_sum(x_r, emb):
    mesh = plsc.VectorSubcoreMesh(
        core_axis_name="c", subcore_axis_name="s", num_cores=NC, num_subcores=NS
    )

    @functools.partial(
        pl.kernel,
        out_type=jax.ShapeDtypeStruct((B, DIM), jnp.float32),
        mesh=mesh,
        scratch_types=[
            pltpu.VMEM((SPT, 2, HALF), jnp.int32),
            pltpu.VMEM((2, L, DIM_PAD), jnp.float32),
            pltpu.VMEM((SPT, DIM), jnp.float32),
            pltpu.SemaphoreType.DMA,
            pltpu.SemaphoreType.DMA,
        ],
    )
    def k(x_hbm, emb_hbm, out_hbm, idx_v, rows_v, out_v, sem0, sem1):
        wid = lax.axis_index("s") * NC + lax.axis_index("c")
        base = wid * SPT
        pltpu.sync_copy(x_hbm.at[pl.ds(base, SPT)], idx_v)
        sems = (sem0, sem1)

        def issue(i, b):
            pltpu.async_copy(
                emb_hbm.at[idx_v.at[i, 0]], rows_v.at[b, pl.ds(0, HALF)], sems[b]
            )
            pltpu.async_copy(
                emb_hbm.at[idx_v.at[i, 1]], rows_v.at[b, pl.ds(HALF, HALF)], sems[b]
            )

        def wait(i, b):
            pltpu.make_async_copy(
                emb_hbm.at[idx_v.at[i, 0]], rows_v.at[b, pl.ds(0, HALF)], sems[b]
            ).wait()
            pltpu.make_async_copy(
                emb_hbm.at[idx_v.at[i, 1]], rows_v.at[b, pl.ds(HALF, HALF)], sems[b]
            ).wait()

        def accumulate(i, b):
            def body(j, carry):
                accs = list(carry)
                for r in range(8):
                    row = j * 8 + r
                    for d in range(NCHUNK):
                        accs[d] = accs[d] + rows_v[b, row, pl.ds(d * LANES, LANES)]
                return tuple(accs)

            zero = jnp.zeros((LANES,), jnp.float32)
            accs = lax.fori_loop(0, L // 8, body, (zero,) * NCHUNK)
            for d in range(NCHUNK):
                out_v[i, pl.ds(d * LANES, LANES)] = accs[d]

        issue(0, 0)
        issue(1, 1)

        def outer(o, carry):
            i0 = o * 2
            wait(i0, 0)
            accumulate(i0, 0)
            issue(i0 + 2, 0)
            wait(i0 + 1, 1)
            accumulate(i0 + 1, 1)
            issue(i0 + 3, 1)
            return carry

        lax.fori_loop(0, SPT // 2 - 1, outer, 0)
        wait(SPT - 2, 0)
        accumulate(SPT - 2, 0)
        wait(SPT - 1, 1)
        accumulate(SPT - 1, 1)

        pltpu.sync_copy(out_v, out_hbm.at[pl.ds(base, SPT)])

    return k(x_r, emb)


def _tc_mlp(rep_sum, len_f, W1, b1r, W2p, b2p):
    BLK = 512

    def body(rep_ref, len_ref, w1_ref, b1_ref, w2_ref, b2_ref, out_ref):
        rep = rep_ref[...] / len_ref[...]
        h = jnp.dot(rep, w1_ref[...], preferred_element_type=jnp.float32)
        h = jnp.maximum(h + b1_ref[...], 0.0)
        out_ref[...] = (
            jnp.dot(h, w2_ref[...], preferred_element_type=jnp.float32) + b2_ref[...]
        )

    return pl.pallas_call(
        body,
        grid=(B // BLK,),
        in_specs=[
            pl.BlockSpec((BLK, DIM), lambda i: (i, 0)),
            pl.BlockSpec((BLK, 1), lambda i: (i, 0)),
            pl.BlockSpec((DIM, HIDDEN), lambda i: (0, 0)),
            pl.BlockSpec((1, HIDDEN), lambda i: (0, 0)),
            pl.BlockSpec((HIDDEN, OUT_PAD), lambda i: (0, 0)),
            pl.BlockSpec((1, OUT_PAD), lambda i: (0, 0)),
        ],
        out_specs=pl.BlockSpec((BLK, OUT_PAD), lambda i: (i, 0)),
        out_shape=jax.ShapeDtypeStruct((B, OUT_PAD), jnp.float32),
    )(rep_sum, len_f, W1, b1r, W2p, b2p)


def kernel(x, lengths, emb, W1, b1, W2, b2):
    x_r = x.astype(jnp.int32).reshape(B, 2, HALF)
    emb_p = jnp.pad(emb, ((0, 0), (0, DIM_PAD - DIM)))
    rep_sum = _sc_embed_sum(x_r, emb_p)
    len_f = lengths.astype(jnp.float32).reshape(B, 1)
    b1r = b1.reshape(1, HIDDEN)
    W2p = jnp.pad(W2, ((0, 0), (0, OUT_PAD - W2.shape[1])))
    b2p = jnp.pad(b2, (0, OUT_PAD - b2.shape[0])).reshape(1, OUT_PAD)
    logits_pad = _tc_mlp(rep_sum, len_f, W1, b1r, W2p, b2p)
    return logits_pad[:, : W2.shape[1]]

# --- scband reference (transcript-rebuilt; emitter-appended) ---
"""Pipeline reference for scband-baseline-dnn-12103217840823 (READ-ONLY COPY).

The authoritative reference and input builder live on the scoring server;
editing this copy changes nothing except your own understanding.
"""

import jax, jax.numpy as jnp
import numpy as np

B, L = 4096, 200
VOCAB, DIM = 100000, 64
HIDDEN, OUT = 1000, 10

def setup_inputs(seed: int = 0) -> dict:
    key = jax.random.key(seed)
    k1, k2, k3, k4, k5 = jax.random.split(key, 5)
    x = jax.random.randint(k1, (B, L), 0, VOCAB, dtype=jnp.int64 if jax.config.jax_enable_x64 else jnp.int32)
    lengths = jax.random.randint(k2, (B,), 1, L + 1, dtype=jnp.int64 if jax.config.jax_enable_x64 else jnp.int32)
    emb = jax.random.normal(k3, (VOCAB, DIM), dtype=jnp.float32) * 0.02
    W1 = jax.random.normal(k4, (DIM, HIDDEN), dtype=jnp.float32) * (1.0 / np.sqrt(DIM))
    b1 = jnp.zeros((HIDDEN,), dtype=jnp.float32)
    W2 = jax.random.normal(k5, (HIDDEN, OUT), dtype=jnp.float32) * (1.0 / np.sqrt(HIDDEN))
    b2 = jnp.zeros((OUT,), dtype=jnp.float32)
    return {"x": x, "lengths": lengths, "emb": emb, "W1": W1, "b1": b1, "W2": W2, "b2": b2}

def reference(x, lengths, emb, W1, b1, W2, b2):
    # embedding gather: [B, L, DIM]
    e = jnp.take(emb, x, axis=0)
    # sum over sequence dim then divide per-sample by lengths (matches the torch loop)
    rep = jnp.sum(e, axis=1) / lengths.astype(jnp.float32)[:, None]
    h = jax.nn.relu(rep @ W1 + b1)
    logits = h @ W2 + b2
    return logits

if __name__ == "__main__":
    import jax
    _d = setup_inputs()
    print(jax.jit(kernel)(*tuple(_d.values())))

</pallas_src>

<mosaic_0001>
#map = affine_map<(d0, d1) -> (0, 0, 0)>
#map1 = affine_map<(d0, d1) -> (0, 0)>
module attributes {stable_mosaic.version = 14 : i64} {
  func.func @k(%arg0: i32, %arg1: i32, %arg2: memref<4096x2x100xi32, #tpu.memory_space<hbm>>, %arg3: memref<100000x128xf32, #tpu.memory_space<hbm>>, %arg4: memref<4096x64xf32, #tpu.memory_space<hbm>>, %arg5: memref<128x2x100xi32, #tpu.memory_space<vmem>>, %arg6: memref<2x200x128xf32, #tpu.memory_space<vmem>>, %arg7: memref<128x64xf32, #tpu.memory_space<vmem>>, %arg8: memref<!tpu.dma_semaphore, #tpu.memory_space<semaphore_mem>>, %arg9: memref<!tpu.dma_semaphore, #tpu.memory_space<semaphore_mem>>) attributes {dimension_semantics = [#tpu.dimension_semantics<core_parallel>, #tpu.dimension_semantics<subcore_parallel>], iteration_bounds = array<i64: 2, 16>, scalar_prefetch = 0 : i64, scratch_operands = 5 : i64, tpu.core_type = #tpu.core_type<sc_vector_subcore>, window_params = [{transform_indices = #map}, {transform_indices = #map1}, {transform_indices = #map1}]} {
    %mul3A = arith.constant 2 : i32
    %mul3A_0 = arith.muli %arg1, %mul3A : i32
    %add3A = arith.addi %mul3A_0, %arg0 : i32
    %mul3A_1 = arith.constant 128 : i32
    %mul3A_2 = arith.muli %add3A, %mul3A_1 : i32
    "tpu.region"() ({
      %run_scoped3A = tpu.sem_alloc : memref<!tpu.dma_semaphore, #tpu.memory_space<semaphore_mem>>
      %dma_start3A_172 = arith.constant 0 : i32
      %dma_start3A_173 = arith.constant 0 : i32
      %dma_start3A_174 = tpu.memref_slice %arg2[%mul3A_2, %dma_start3A_172, %dma_start3A_173] : memref<4096x2x100xi32, #tpu.memory_space<hbm>> -> memref<128x2x100xi32, #tpu.memory_space<hbm>>
      %dma_start3A_175 = arith.constant 0 : i32
      %dma_start3A_176 = arith.constant 0 : i32
      %dma_start3A_177 = tpu.memref_slice %arg2[%mul3A_2, %dma_start3A_175, %dma_start3A_176] : memref<4096x2x100xi32, #tpu.memory_space<hbm>> -> memref<128x2x100xi32, #tpu.memory_space<hbm>>
      tpu.enqueue_dma source(%dma_start3A_177 : memref<128x2x100xi32, #tpu.memory_space<hbm>>) target(%arg5 : memref<128x2x100xi32, #tpu.memory_space<vmem>>) target_semaphore(%run_scoped3A : memref<!tpu.dma_semaphore, #tpu.memory_space<semaphore_mem>>)
      %dma_wait3A_178 = arith.constant 0 : i32
      %dma_wait3A_179 = arith.constant 0 : i32
      %dma_wait3A_180 = tpu.memref_slice %arg2[%mul3A_2, %dma_wait3A_178, %dma_wait3A_179] : memref<4096x2x100xi32, #tpu.memory_space<hbm>> -> memref<128x2x100xi32, #tpu.memory_space<hbm>>
      %dma_wait3A_181 = arith.constant 0 : i32
      %dma_wait3A_182 = arith.constant 0 : i32
      %dma_wait3A_183 = tpu.memref_slice %arg2[%mul3A_2, %dma_wait3A_181, %dma_wait3A_182] : memref<4096x2x100xi32, #tpu.memory_space<hbm>> -> memref<128x2x100xi32, #tpu.memory_space<hbm>>
      tpu.wait_dma2 semaphore(%run_scoped3A : memref<!tpu.dma_semaphore, #tpu.memory_space<semaphore_mem>>) src(%dma_wait3A_183 : memref<128x2x100xi32, #tpu.memory_space<hbm>>) dst(%arg5 : memref<128x2x100xi32, #tpu.memory_space<vmem>>)
      tpu.yield
    }) : () -> ()
    %dma_start3A = arith.constant 0 : i32
    %dma_start3A_3 = arith.constant 0 : i32
    %dma_start3A_4 = arith.constant 0 : i32
    %dma_start3A_5 = arith.constant 0 : i32
    %dma_start3A_6 = arith.constant 0 : i32
    %dma_start3A_7 = tpu.memref_slice %arg6[%dma_start3A_4, %dma_start3A_5, %dma_start3A_6] : memref<2x200x128xf32, #tpu.memory_space<vmem>> -> memref<1x100x128xf32, #tpu.memory_space<vmem>>
    %dma_start3A_8 = tpu.memref_squeeze %dma_start3A_7 : memref<1x100x128xf32, #tpu.memory_space<vmem>> -> memref<100x128xf32, #tpu.memory_space<vmem>>
    %dma_start3A_9 = arith.constant 0 : i32
    %dma_start3A_10 = tpu.memref_slice %arg5[%dma_start3A, %dma_start3A_3, %dma_start3A_9] : memref<128x2x100xi32, #tpu.memory_space<vmem>> -> memref<1x1x100xi32, #tpu.memory_space<vmem>>
    %dma_start3A_11 = tpu.memref_squeeze %dma_start3A_10 : memref<1x1x100xi32, #tpu.memory_space<vmem>> -> memref<100xi32, #tpu.memory_space<vmem>>
    %dma_start3A_12 = arith.constant 0 : i32
    %dma_start3A_13 = arith.constant 0 : i32
    %dma_start3A_14 = tpu.memref_slice %arg3[%dma_start3A_12, %dma_start3A_13] : memref<100000x128xf32, #tpu.memory_space<hbm>> -> memref<100000x128xf32, #tpu.memory_space<hbm>>
    tpu.enqueue_indirect_dma source(%dma_start3A_14 : memref<100000x128xf32, #tpu.memory_space<hbm>>) target(%dma_start3A_8 : memref<100x128xf32, #tpu.memory_space<vmem>>) offsets(%dma_start3A_11 : memref<100xi32, #tpu.memory_space<vmem>>) semaphore(%arg8 : memref<!tpu.dma_semaphore, #tpu.memory_space<semaphore_mem>>)
    %dma_start3A_15 = arith.constant 0 : i32
    %dma_start3A_16 = arith.constant 1 : i32
    %dma_start3A_17 = arith.constant 0 : i32
    %dma_start3A_18 = arith.constant 100 : i32
    %dma_start3A_19 = arith.constant 0 : i32
    %dma_start3A_20 = tpu.memref_slice %arg6[%dma_start3A_17, %dma_start3A_18, %dma_start3A_19] : memref<2x200x128xf32, #tpu.memory_space<vmem>> -> memref<1x100x128xf32, #tpu.memory_space<vmem>>
    %dma_start3A_21 = tpu.memref_squeeze %dma_start3A_20 : memref<1x100x128xf32, #tpu.memory_space<vmem>> -> memref<100x128xf32, #tpu.memory_space<vmem>>
    %dma_start3A_22 = arith.constant 0 : i32
    %dma_start3A_23 = tpu.memref_slice %arg5[%dma_start3A_15, %dma_start3A_16, %dma_start3A_22] : memref<128x2x100xi32, #tpu.memory_space<vmem>> -> memref<1x1x100xi32, #tpu.memory_space<vmem>>
    %dma_start3A_24 = tpu.memref_squeeze %dma_start3A_23 : memref<1x1x100xi32, #tpu.memory_space<vmem>> -> memref<100xi32, #tpu.memory_space<vmem>>
    %dma_start3A_25 = arith.constant 0 : i32
    %dma_start3A_26 = arith.constant 0 : i32
    %dma_start3A_27 = tpu.memref_slice %arg3[%dma_start3A_25, %dma_start3A_26] : memref<100000x128xf32, #tpu.memory_space<hbm>> -> memref<100000x128xf32, #tpu.memory_space<hbm>>
    tpu.enqueue_indirect_dma source(%dma_start3A_27 : memref<100000x128xf32, #tpu.memory_space<hbm>>) target(%dma_start3A_21 : memref<100x128xf32, #tpu.memory_space<vmem>>) offsets(%dma_start3A_24 : memref<100xi32, #tpu.memory_space<vmem>>) semaphore(%arg8 : memref<!tpu.dma_semaphore, #tpu.memory_space<semaphore_mem>>)
    %dma_start3A_28 = arith.constant 1 : i32
    %dma_start3A_29 = arith.constant 0 : i32
    %dma_start3A_30 = arith.constant 1 : i32
    %dma_start3A_31 = arith.constant 0 : i32
    %dma_start3A_32 = arith.constant 0 : i32
    %dma_start3A_33 = tpu.memref_slice %arg6[%dma_start3A_30, %dma_start3A_31, %dma_start3A_32] : memref<2x200x128xf32, #tpu.memory_space<vmem>> -> memref<1x100x128xf32, #tpu.memory_space<vmem>>
    %dma_start3A_34 = tpu.memref_squeeze %dma_start3A_33 : memref<1x100x128xf32, #tpu.memory_space<vmem>> -> memref<100x128xf32, #tpu.memory_space<vmem>>
    %dma_start3A_35 = arith.constant 0 : i32
    %dma_start3A_36 = tpu.memref_slice %arg5[%dma_start3A_28, %dma_start3A_29, %dma_start3A_35] : memref<128x2x100xi32, #tpu.memory_space<vmem>> -> memref<1x1x100xi32, #tpu.memory_space<vmem>>
    %dma_start3A_37 = tpu.memref_squeeze %dma_start3A_36 : memref<1x1x100xi32, #tpu.memory_space<vmem>> -> memref<100xi32, #tpu.memory_space<vmem>>
    %dma_start3A_38 = arith.constant 0 : i32
    %dma_start3A_39 = arith.constant 0 : i32
    %dma_start3A_40 = tpu.memref_slice %arg3[%dma_start3A_38, %dma_start3A_39] : memref<100000x128xf32, #tpu.memory_space<hbm>> -> memref<100000x128xf32, #tpu.memory_space<hbm>>
    tpu.enqueue_indirect_dma source(%dma_start3A_40 : memref<100000x128xf32, #tpu.memory_space<hbm>>) target(%dma_start3A_34 : memref<100x128xf32, #tpu.memory_space<vmem>>) offsets(%dma_start3A_37 : memref<100xi32, #tpu.memory_space<vmem>>) semaphore(%arg9 : memref<!tpu.dma_semaphore, #tpu.memory_space<semaphore_mem>>)
    %dma_start3A_41 = arith.constant 1 : i32
    %dma_start3A_42 = arith.constant 1 : i32
    %dma_start3A_43 = arith.constant 1 : i32
    %dma_start3A_44 = arith.constant 100 : i32
    %dma_start3A_45 = arith.constant 0 : i32
    %dma_start3A_46 = tpu.memref_slice %arg6[%dma_start3A_43, %dma_start3A_44, %dma_start3A_45] : memref<2x200x128xf32, #tpu.memory_space<vmem>> -> memref<1x100x128xf32, #tpu.memory_space<vmem>>
    %dma_start3A_47 = tpu.memref_squeeze %dma_start3A_46 : memref<1x100x128xf32, #tpu.memory_space<vmem>> -> memref<100x128xf32, #tpu.memory_space<vmem>>
    %dma_start3A_48 = arith.constant 0 : i32
    %dma_start3A_49 = tpu.memref_slice %arg5[%dma_start3A_41, %dma_start3A_42, %dma_start3A_48] : memref<128x2x100xi32, #tpu.memory_space<vmem>> -> memref<1x1x100xi32, #tpu.memory_space<vmem>>
    %dma_start3A_50 = tpu.memref_squeeze %dma_start3A_49 : memref<1x1x100xi32, #tpu.memory_space<vmem>> -> memref<100xi32, #tpu.memory_space<vmem>>
    %dma_start3A_51 = arith.constant 0 : i32
    %dma_start3A_52 = arith.constant 0 : i32
    %dma_start3A_53 = tpu.memref_slice %arg3[%dma_start3A_51, %dma_start3A_52] : memref<100000x128xf32, #tpu.memory_space<hbm>> -> memref<100000x128xf32, #tpu.memory_space<hbm>>
    tpu.enqueue_indirect_dma source(%dma_start3A_53 : memref<100000x128xf32, #tpu.memory_space<hbm>>) target(%dma_start3A_47 : memref<100x128xf32, #tpu.memory_space<vmem>>) offsets(%dma_start3A_50 : memref<100xi32, #tpu.memory_space<vmem>>) semaphore(%arg9 : memref<!tpu.dma_semaphore, #tpu.memory_space<semaphore_mem>>)
    %scan3A = arith.constant 0 : i32
    %scan3A_54 = arith.constant 0 : i32
    %scan3A_55 = arith.constant 63 : i32
    %scan3A_56 = arith.addi %scan3A_54, %scan3A_55 : i32
    %scan3A_57 = arith.constant 1 : i32
    scf.for %scan3A_172 = %scan3A_54 to %scan3A_56 step %scan3A_57  : i32 {
      %mul3A_173 = arith.constant 2 : i32
      %mul3A_174 = arith.muli %scan3A_172, %mul3A_173 : i32
      %dma_wait3A_175 = arith.constant 0 : i32
      %dma_wait3A_176 = arith.constant 0 : i32
      %dma_wait3A_177 = arith.constant 0 : i32
      %dma_wait3A_178 = arith.constant 0 : i32
      %dma_wait3A_179 = tpu.memref_slice %arg6[%dma_wait3A_176, %dma_wait3A_177, %dma_wait3A_178] : memref<2x200x128xf32, #tpu.memory_space<vmem>> -> memref<1x100x128xf32, #tpu.memory_space<vmem>>
      %dma_wait3A_180 = tpu.memref_squeeze %dma_wait3A_179 : memref<1x100x128xf32, #tpu.memory_space<vmem>> -> memref<100x128xf32, #tpu.memory_space<vmem>>
      %dma_wait3A_181 = arith.constant 0 : i32
      %dma_wait3A_182 = tpu.memref_slice %arg5[%mul3A_174, %dma_wait3A_175, %dma_wait3A_181] : memref<128x2x100xi32, #tpu.memory_space<vmem>> -> memref<1x1x100xi32, #tpu.memory_space<vmem>>
      %dma_wait3A_183 = tpu.memref_squeeze %dma_wait3A_182 : memref<1x1x100xi32, #tpu.memory_space<vmem>> -> memref<100xi32, #tpu.memory_space<vmem>>
      %dma_wait3A_184 = arith.constant 0 : i32
      %dma_wait3A_185 = arith.constant 0 : i32
      %dma_wait3A_186 = tpu.memref_slice %arg3[%dma_wait3A_184, %dma_wait3A_185] : memref<100000x128xf32, #tpu.memory_space<hbm>> -> memref<100000x128xf32, #tpu.memory_space<hbm>>
      tpu.wait_indirect_dma semaphore(%arg8 : memref<!tpu.dma_semaphore, #tpu.memory_space<semaphore_mem>>) src(%dma_wait3A_186 : memref<100000x128xf32, #tpu.memory_space<hbm>>) dst(%dma_wait3A_180 : memref<100x128xf32, #tpu.memory_space<vmem>>)
      %dma_wait3A_187 = arith.constant 1 : i32
      %dma_wait3A_188 = arith.constant 0 : i32
      %dma_wait3A_189 = arith.constant 100 : i32
      %dma_wait3A_190 = arith.constant 0 : i32
      %dma_wait3A_191 = tpu.memref_slice %arg6[%dma_wait3A_188, %dma_wait3A_189, %dma_wait3A_190] : memref<2x200x128xf32, #tpu.memory_space<vmem>> -> memref<1x100x128xf32, #tpu.memory_space<vmem>>
      %dma_wait3A_192 = tpu.memref_squeeze %dma_wait3A_191 : memref<1x100x128xf32, #tpu.memory_space<vmem>> -> memref<100x128xf32, #tpu.memory_space<vmem>>
      %dma_wait3A_193 = arith.constant 0 : i32
      %dma_wait3A_194 = tpu.memref_slice %arg5[%mul3A_174, %dma_wait3A_187, %dma_wait3A_193] : memref<128x2x100xi32, #tpu.memory_space<vmem>> -> memref<1x1x100xi32, #tpu.memory_space<vmem>>
      %dma_wait3A_195 = tpu.memref_squeeze %dma_wait3A_194 : memref<1x1x100xi32, #tpu.memory_space<vmem>> -> memref<100xi32, #tpu.memory_space<vmem>>
      %dma_wait3A_196 = arith.constant 0 : i32
      %dma_wait3A_197 = arith.constant 0 : i32
      %dma_wait3A_198 = tpu.memref_slice %arg3[%dma_wait3A_196, %dma_wait3A_197] : memref<100000x128xf32, #tpu.memory_space<hbm>> -> memref<100000x128xf32, #tpu.memory_space<hbm>>
      tpu.wait_indirect_dma semaphore(%arg8 : memref<!tpu.dma_semaphore, #tpu.memory_space<semaphore_mem>>) src(%dma_wait3A_198 : memref<100000x128xf32, #tpu.memory_space<hbm>>) dst(%dma_wait3A_192 : memref<100x128xf32, #tpu.memory_space<vmem>>)
      %broadcast_in_dim3A_199 = arith.constant 0.000000e+00 : f32
      %broadcast_in_dim3A_200 = vector.broadcast %broadcast_in_dim3A_199 : f32 to vector<16xf32>
      %scan3A_201 = arith.constant 0 : i32
      %scan3A_202 = arith.constant 25 : i32
      %scan3A_203 = arith.addi %scan3A_201, %scan3A_202 : i32
      %scan3A_204 = arith.constant 1 : i32
      %scan3A_205:4 = scf.for %scan3A_335 = %scan3A_201 to %scan3A_203 step %scan3A_204 iter_args(%scan3A_336 = %broadcast_in_dim3A_200, %scan3A_337 = %broadcast_in_dim3A_200, %scan3A_338 = %broadcast_in_dim3A_200, %scan3A_339 = %broadcast_in_dim3A_200) -> (vector<16xf32>, vector<16xf32>, vector<16xf32>, vector<16xf32>)  : i32 {
        %mul3A_340 = arith.constant 8 : i32
        %mul3A_341 = arith.muli %scan3A_335, %mul3A_340 : i32
        %add3A_342 = arith.constant 0 : i32
        %add3A_343 = arith.addi %mul3A_341, %add3A_342 : i32
        %get3A = arith.constant 0 : i32
        %get3A_344 = arith.index_cast %get3A : i32 to index
        %get3A_345 = arith.index_cast %add3A_343 : i32 to index
        %get3A_346 = arith.constant 0 : index
        %get3A_347 = tpu.vector_load %arg6[%get3A_344, %get3A_345, %get3A_346] {strides = array<i32>} : memref<2x200x128xf32, #tpu.memory_space<vmem>>, vector<1x1x16xf32>,
        %get3A_348 = vector.shape_cast %get3A_347 : vector<1x1x16xf32> to vector<16xf32>
        %add3A_349 = arith.addf %scan3A_336, %get3A_348 : vector<16xf32>
        %get3A_350 = arith.constant 0 : i32
        %get3A_351 = arith.index_cast %get3A_350 : i32 to index
        %get3A_352 = arith.index_cast %add3A_343 : i32 to index
        %get3A_353 = arith.constant 16 : index
        %get3A_354 = tpu.vector_load %arg6[%get3A_351, %get3A_352, %get3A_353] {strides = array<i32>} : memref<2x200x128xf32, #tpu.memory_space<vmem>>, vector<1x1x16xf32>,
        %get3A_355 = vector.shape_cast %get3A_354 : vector<1x1x16xf32> to vector<16xf32>
        %add3A_356 = arith.addf %scan3A_337, %get3A_355 : vector<16xf32>
        %get3A_357 = arith.constant 0 : i32
        %get3A_358 = arith.index_cast %get3A_357 : i32 to index
        %get3A_359 = arith.index_cast %add3A_343 : i32 to index
        %get3A_360 = arith.constant 32 : index
        %get3A_361 = tpu.vector_load %arg6[%get3A_358, %get3A_359, %get3A_360] {strides = array<i32>} : memref<2x200x128xf32, #tpu.memory_space<vmem>>, vector<1x1x16xf32>,
        %get3A_362 = vector.shape_cast %get3A_361 : vector<1x1x16xf32> to vector<16xf32>
        %add3A_363 = arith.addf %scan3A_338, %get3A_362 : vector<16xf32>
        %get3A_364 = arith.constant 0 : i32
        %get3A_365 = arith.index_cast %get3A_364 : i32 to index
        %get3A_366 = arith.index_cast %add3A_343 : i32 to index
        %get3A_367 = arith.constant 48 : index
        %get3A_368 = tpu.vector_load %arg6[%get3A_365, %get3A_366, %get3A_367] {strides = array<i32>} : memref<2x200x128xf32, #tpu.memory_space<vmem>>, vector<1x1x16xf32>,
        %get3A_369 = vector.shape_cast %get3A_368 : vector<1x1x16xf32> to vector<16xf32>
        %add3A_370 = arith.addf %scan3A_339, %get3A_369 : vector<16xf32>
        %mul3A_371 = arith.constant 8 : i32
        %mul3A_372 = arith.muli %scan3A_335, %mul3A_371 : i32
        %add3A_373 = arith.constant 1 : i32
        %add3A_374 = arith.addi %mul3A_372, %add3A_373 : i32
        %get3A_375 = arith.constant 0 : i32
        %get3A_376 = arith.index_cast %get3A_375 : i32 to index
        %get3A_377 = arith.index_cast %add3A_374 : i32 to index
        %get3A_378 = arith.constant 0 : index
        %get3A_379 = tpu.vector_load %arg6[%get3A_376, %get3A_377, %get3A_378] {strides = array<i32>} : memref<2x200x128xf32, #tpu.memory_space<vmem>>, vector<1x1x16xf32>,
        %get3A_380 = vector.shape_cast %get3A_379 : vector<1x1x16xf32> to vector<16xf32>
        %add3A_381 = arith.addf %add3A_349, %get3A_380 : vector<16xf32>
        %get3A_382 = arith.constant 0 : i32
        %get3A_383 = arith.index_cast %get3A_382 : i32 to index
        %get3A_384 = arith.index_cast %add3A_374 : i32 to index
        %get3A_385 = arith.constant 16 : index
        %get3A_386 = tpu.vector_load %arg6[%get3A_383, %get3A_384, %get3A_385] {strides = array<i32>} : memref<2x200x128xf32, #tpu.memory_space<vmem>>, vector<1x1x16xf32>,
        %get3A_387 = vector.shape_cast %get3A_386 : vector<1x1x16xf32> to vector<16xf32>
        %add3A_388 = arith.addf %add3A_356, %get3A_387 : vector<16xf32>
        %get3A_389 = arith.constant 0 : i32
        %get3A_390 = arith.index_cast %get3A_389 : i32 to index
        %get3A_391 = arith.index_cast %add3A_374 : i32 to index
        %get3A_392 = arith.constant 32 : index
        %get3A_393 = tpu.vector_load %arg6[%get3A_390, %get3A_391, %get3A_392] {strides = array<i32>} : memref<2x200x128xf32, #tpu.memory_space<vmem>>, vector<1x1x16xf32>,
        %get3A_394 = vector.shape_cast %get3A_393 : vector<1x1x16xf32> to vector<16xf32>
        %add3A_395 = arith.addf %add3A_363, %get3A_394 : vector<16xf32>
        %get3A_396 = arith.constant 0 : i32
        %get3A_397 = arith.index_cast %get3A_396 : i32 to index
        %get3A_398 = arith.index_cast %add3A_374 : i32 to index
        %get3A_399 = arith.constant 48 : index
        %get3A_400 = tpu.vector_load %arg6[%get3A_397, %get3A_398, %get3A_399] {strides = array<i32>} : memref<2x200x128xf32, #tpu.memory_space<vmem>>, vector<1x1x16xf32>,
        %get3A_401 = vector.shape_cast %get3A_400 : vector<1x1x16xf32> to vector<16xf32>
        %add3A_402 = arith.addf %add3A_370, %get3A_401 : vector<16xf32>
        %mul3A_403 = arith.constant 8 : i32
        %mul3A_404 = arith.muli %scan3A_335, %mul3A_403 : i32
        %add3A_405 = arith.constant 2 : i32
        %add3A_406 = arith.addi %mul3A_404, %add3A_405 : i32
        %get3A_407 = arith.constant 0 : i32
        %get3A_408 = arith.index_cast %get3A_407 : i32 to index
        %get3A_409 = arith.index_cast %add3A_406 : i32 to index
        %get3A_410 = arith.constant 0 : index
        %get3A_411 = tpu.vector_load %arg6[%get3A_408, %get3A_409, %get3A_410] {strides = array<i32>} : memref<2x200x128xf32, #tpu.memory_space<vmem>>, vector<1x1x16xf32>,
        %get3A_412 = vector.shape_cast %get3A_411 : vector<1x1x16xf32> to vector<16xf32>
        %add3A_413 = arith.addf %add3A_381, %get3A_412 : vector<16xf32>
        %get3A_414 = arith.constant 0 : i32
        %get3A_415 = arith.index_cast %get3A_414 : i32 to index
        %get3A_416 = arith.index_cast %add3A_406 : i32 to index
        %get3A_417 = arith.constant 16 : index
        %get3A_418 = tpu.vector_load %arg6[%get3A_415, %get3A_416, %get3A_417] {strides = array<i32>} : memref<2x200x128xf32, #tpu.memory_space<vmem>>, vector<1x1x16xf32>,
        %get3A_419 = vector.shape_cast %get3A_418 : vector<1x1x16xf32> to vector<16xf32>
        %add3A_420 = arith.addf %add3A_388, %get3A_419 : vector<16xf32>
        %get3A_421 = arith.constant 0 : i32
        %get3A_422 = arith.index_cast %get3A_421 : i32 to index
        %get3A_423 = arith.index_cast %add3A_406 : i32 to index
        %get3A_424 = arith.constant 32 : index
        %get3A_425 = tpu.vector_load %arg6[%get3A_422, %get3A_423, %get3A_424] {strides = array<i32>} : memref<2x200x128xf32, #tpu.memory_space<vmem>>, vector<1x1x16xf32>,
        %get3A_426 = vector.shape_cast %get3A_425 : vector<1x1x16xf32> to vector<16xf32>
        %add3A_427 = arith.addf %add3A_395, %get3A_426 : vector<16xf32>
        %get3A_428 = arith.constant 0 : i32
        %get3A_429 = arith.index_cast %get3A_428 : i32 to index
        %get3A_430 = arith.index_cast %add3A_406 : i32 to index
        %get3A_431 = arith.constant 48 : index
        %get3A_432 = tpu.vector_load %arg6[%get3A_429, %get3A_430, %get3A_431] {strides = array<i32>} : memref<2x200x128xf32, #tpu.memory_space<vmem>>, vector<1x1x16xf32>,
        %get3A_433 = vector.shape_cast %get3A_432 : vector<1x1x16xf32> to vector<16xf32>
        %add3A_434 = arith.addf %add3A_402, %get3A_433 : vector<16xf32>
        %mul3A_435 = arith.constant 8 : i32
        %mul3A_436 = arith.muli %scan3A_335, %mul3A_435 : i32
        %add3A_437 = arith.constant 3 : i32
        %add3A_438 = arith.addi %mul3A_436, %add3A_437 : i32
        %get3A_439 = arith.constant 0 : i32
        %get3A_440 = arith.index_cast %get3A_439 : i32 to index
        %get3A_441 = arith.index_cast %add3A_438 : i32 to index
        %get3A_442 = arith.constant 0 : index
        %get3A_443 = tpu.vector_load %arg6[%get3A_440, %get3A_441, %get3A_442] {strides = array<i32>} : memref<2x200x128xf32, #tpu.memory_space<vmem>>, vector<1x1x16xf32>,
        %get3A_444 = vector.shape_cast %get3A_443 : vector<1x1x16xf32> to vector<16xf32>
        %add3A_445 = arith.addf %add3A_413, %get3A_444 : vector<16xf32>
        %get3A_446 = arith.constant 0 : i32
        %get3A_447 = arith.index_cast %get3A_446 : i32 to index
        %get3A_448 = arith.index_cast %add3A_438 : i32 to index
        %get3A_449 = arith.constant 16 : index
        %get3A_450 = tpu.vector_load %arg6[%get3A_447, %get3A_448, %get3A_449] {strides = array<i32>} : memref<2x200x128xf32, #tpu.memory_space<vmem>>, vector<1x1x16xf32>,
        %get3A_451 = vector.shape_cast %get3A_450 : vector<1x1x16xf32> to vector<16xf32>
        %add3A_452 = arith.addf %add3A_420, %get3A_451 : vector<16xf32>
        %get3A_453 = arith.constant 0 : i32
        %get3A_454 = arith.index_cast %get3A_453 : i32 to index
        %get3A_455 = arith.index_cast %add3A_438 : i32 to index
        %get3A_456 = arith.constant 32 : index
        %get3A_457 = tpu.vector_load %arg6[%get3A_454, %get3A_455, %get3A_456] {strides = array<i32>} : memref<2x200x128xf32, #tpu.memory_space<vmem>>, vector<1x1x16xf32>,
        %get3A_458 = vector.shape_cast %get3A_457 : vector<1x1x16xf32> to vector<16xf32>
        %add3A_459 = arith.addf %add3A_427, %get3A_458 : vector<16xf32>
        %get3A_460 = arith.constant 0 : i32
        %get3A_461 = arith.index_cast %get3A_460 : i32 to index
        %get3A_462 = arith.index_cast %add3A_438 : i32 to index
        %get3A_463 = arith.constant 48 : index
        %get3A_464 = tpu.vector_load %arg6[%get3A_461, %get3A_462, %get3A_463] {strides = array<i32>} : memref<2x200x128xf32, #tpu.memory_space<vmem>>, vector<1x1x16xf32>,
        %get3A_465 = vector.shape_cast %get3A_464 : vector<1x1x16xf32> to vector<16xf32>
        %add3A_466 = arith.addf %add3A_434, %get3A_465 : vector<16xf32>
        %mul3A_467 = arith.constant 8 : i32
        %mul3A_468 = arith.muli %scan3A_335, %mul3A_467 : i32
        %add3A_469 = arith.constant 4 : i32
        %add3A_470 = arith.addi %mul3A_468, %add3A_469 : i32
        %get3A_471 = arith.constant 0 : i32
        %get3A_472 = arith.index_cast %get3A_471 : i32 to index
        %get3A_473 = arith.index_cast %add3A_470 : i32 to index
        %get3A_474 = arith.constant 0 : index
        %get3A_475 = tpu.vector_load %arg6[%get3A_472, %get3A_473, %get3A_474] {strides = array<i32>} : memref<2x200x128xf32, #tpu.memory_space<vmem>>, vector<1x1x16xf32>,
        %get3A_476 = vector.shape_cast %get3A_475 : vector<1x1x16xf32> to vector<16xf32>
        %add3A_477 = arith.addf %add3A_445, %get3A_476 : vector<16xf32>
        %get3A_478 = arith.constant 0 : i32
        %get3A_479 = arith.index_cast %get3A_478 : i32 to index
        %get3A_480 = arith.index_cast %add3A_470 : i32 to index
        %get3A_481 = arith.constant 16 : index
        %get3A_482 = tpu.vector_load %arg6[%get3A_479, %get3A_480, %get3A_481] {strides = array<i32>} : memref<2x200x128xf32, #tpu.memory_space<vmem>>, vector<1x1x16xf32>,
        %get3A_483 = vector.shape_cast %get3A_482 : vector<1x1x16xf32> to vector<16xf32>
        %add3A_484 = arith.addf %add3A_452, %get3A_483 : vector<16xf32>
        %get3A_485 = arith.constant 0 : i32
        %get3A_486 = arith.index_cast %get3A_485 : i32 to index
        %get3A_487 = arith.index_cast %add3A_470 : i32 to index
        %get3A_488 = arith.constant 32 : index
        %get3A_489 = tpu.vector_load %arg6[%get3A_486, %get3A_487, %get3A_488] {strides = array<i32>} : memref<2x200x128xf32, #tpu.memory_space<vmem>>, vector<1x1x16xf32>,
        %get3A_490 = vector.shape_cast %get3A_489 : vector<1x1x16xf32> to vector<16xf32>
        %add3A_491 = arith.addf %add3A_459, %get3A_490 : vector<16xf32>
        %get3A_492 = arith.constant 0 : i32
        %get3A_493 = arith.index_cast %get3A_492 : i32 to index
        %get3A_494 = arith.index_cast %add3A_470 : i32 to index
        %get3A_495 = arith.constant 48 : index
        %get3A_496 = tpu.vector_load %arg6[%get3A_493, %get3A_494, %get3A_495] {strides = array<i32>} : memref<2x200x128xf32, #tpu.memory_space<vmem>>, vector<1x1x16xf32>,
        %get3A_497 = vector.shape_cast %get3A_496 : vector<1x1x16xf32> to vector<16xf32>
        %add3A_498 = arith.addf %add3A_466, %get3A_497 : vector<16xf32>
        %mul3A_499 = arith.constant 8 : i32
        %mul3A_500 = arith.muli %scan3A_335, %mul3A_499 : i32
        %add3A_501 = arith.constant 5 : i32
        %add3A_502 = arith.addi %mul3A_500, %add3A_501 : i32
        %get3A_503 = arith.constant 0 : i32
        %get3A_504 = arith.index_cast %get3A_503 : i32 to index
        %get3A_505 = arith.index_cast %add3A_502 : i32 to index
        %get3A_506 = arith.constant 0 : index
        %get3A_507 = tpu.vector_load %arg6[%get3A_504, %get3A_505, %get3A_506] {strides = array<i32>} : memref<2x200x128xf32, #tpu.memory_space<vmem>>, vector<1x1x16xf32>,
        %get3A_508 = vector.shape_cast %get3A_507 : vector<1x1x16xf32> to vector<16xf32>
        %add3A_509 = arith.addf %add3A_477, %get3A_508 : vector<16xf32>
        %get3A_510 = arith.constant 0 : i32
        %get3A_511 = arith.index_cast %get3A_510 : i32 to index
        %get3A_512 = arith.index_cast %add3A_502 : i32 to index
        %get3A_513 = arith.constant 16 : index
        %get3A_514 = tpu.vector_load %arg6[%get3A_511, %get3A_512, %get3A_513] {strides = array<i32>} : memref<2x200x128xf32, #tpu.memory_space<vmem>>, vector<1x1x16xf32>,
        %get3A_515 = vector.shape_cast %get3A_514 : vector<1x1x16xf32> to vector<16xf32>
        %add3A_516 = arith.addf %add3A_484, %get3A_515 : vector<16xf32>
        %get3A_517 = arith.constant 0 : i32
        %get3A_518 = arith.index_cast %get3A_517 : i32 to index
        %get3A_519 = arith.index_cast %add3A_502 : i32 to index
        %get3A_520 = arith.constant 32 : index
        %get3A_521 = tpu.vector_load %arg6[%get3A_518, %get3A_519, %get3A_520] {strides = array<i32>} : memref<2x200x128xf32, #tpu.memory_space<vmem>>, vector<1x1x16xf32>,
        %get3A_522 = vector.shape_cast %get3A_521 : vector<1x1x16xf32> to vector<16xf32>
        %add3A_523 = arith.addf %add3A_491, %get3A_522 : vector<16xf32>
        %get3A_524 = arith.constant 0 : i32
        %get3A_525 = arith.index_cast %get3A_524 : i32 to index
        %get3A_526 = arith.index_cast %add3A_502 : i32 to index
        %get3A_527 = arith.constant 48 : index
        %get3A_528 = tpu.vector_load %arg6[%get3A_525, %get3A_526, %get3A_527] {strides = array<i32>} : memref<2x200x128xf32, #tpu.memory_space<vmem>>, vector<1x1x16xf32>,
        %get3A_529 = vector.shape_cast %get3A_528 : vector<1x1x16xf32> to vector<16xf32>
        %add3A_530 = arith.addf %add3A_498, %get3A_529 : vector<16xf32>
        %mul3A_531 = arith.constant 8 : i32
        %mul3A_532 = arith.muli %scan3A_335, %mul3A_531 : i32
        %add3A_533 = arith.constant 6 : i32
        %add3A_534 = arith.addi %mul3A_532, %add3A_533 : i32
        %get3A_535 = arith.constant 0 : i32
        %get3A_536 = arith.index_cast %get3A_535 : i32 to index
        %get3A_537 = arith.index_cast %add3A_534 : i32 to index
        %get3A_538 = arith.constant 0 : index
        %get3A_539 = tpu.vector_load %arg6[%get3A_536, %get3A_537, %get3A_538] {strides = array<i32>} : memref<2x200x128xf32, #tpu.memory_space<vmem>>, vector<1x1x16xf32>,
        %get3A_540 = vector.shape_cast %get3A_539 : vector<1x1x16xf32> to vector<16xf32>
        %add3A_541 = arith.addf %add3A_509, %get3A_540 : vector<16xf32>
        %get3A_542 = arith.constant 0 : i32
        %get3A_543 = arith.index_cast %get3A_542 : i32 to index
        %get3A_544 = arith.index_cast %add3A_534 : i32 to index
        %get3A_545 = arith.constant 16 : index
        %get3A_546 = tpu.vector_load %arg6[%get3A_543, %get3A_544, %get3A_545] {strides = array<i32>} : memref<2x200x128xf32, #tpu.memory_space<vmem>>, vector<1x1x16xf32>,
        %get3A_547 = vector.shape_cast %get3A_546 : vector<1x1x16xf32> to vector<16xf32>
        %add3A_548 = arith.addf %add3A_516, %get3A_547 : vector<16xf32>
        %get3A_549 = arith.constant 0 : i32
        %get3A_550 = arith.index_cast %get3A_549 : i32 to index
        %get3A_551 = arith.index_cast %add3A_534 : i32 to index
        %get3A_552 = arith.constant 32 : index
        %get3A_553 = tpu.vector_load %arg6[%get3A_550, %get3A_551, %get3A_552] {strides = array<i32>} : memref<2x200x128xf32, #tpu.memory_space<vmem>>, vector<1x1x16xf32>,
        %get3A_554 = vector.shape_cast %get3A_553 : vector<1x1x16xf32> to vector<16xf32>
        %add3A_555 = arith.addf %add3A_523, %get3A_554 : vector<16xf32>
        %get3A_556 = arith.constant 0 : i32
        %get3A_557 = arith.index_cast %get3A_556 : i32 to index
        %get3A_558 = arith.index_cast %add3A_534 : i32 to index
        %get3A_559 = arith.constant 48 : index
        %get3A_560 = tpu.vector_load %arg6[%get3A_557, %get3A_558, %get3A_559] {strides = array<i32>} : memref<2x200x128xf32, #tpu.memory_space<vmem>>, vector<1x1x16xf32>,
        %get3A_561 = vector.shape_cast %get3A_560 : vector<1x1x16xf32> to vector<16xf32>
        %add3A_562 = arith.addf %add3A_530, %get3A_561 : vector<16xf32>
        %mul3A_563 = arith.constant 8 : i32
        %mul3A_564 = arith.muli %scan3A_335, %mul3A_563 : i32
        %add3A_565 = arith.constant 7 : i32
        %add3A_566 = arith.addi %mul3A_564, %add3A_565 : i32
        %get3A_567 = arith.constant 0 : i32
        %get3A_568 = arith.index_cast %get3A_567 : i32 to index
        %get3A_569 = arith.index_cast %add3A_566 : i32 to index
        %get3A_570 = arith.constant 0 : index
        %get3A_571 = tpu.vector_load %arg6[%get3A_568, %get3A_569, %get3A_570] {strides = array<i32>} : memref<2x200x128xf32, #tpu.memory_space<vmem>>, vector<1x1x16xf32>,
        %get3A_572 = vector.shape_cast %get3A_571 : vector<1x1x16xf32> to vector<16xf32>
        %add3A_573 = arith.addf %add3A_541, %get3A_572 : vector<16xf32>
        %get3A_574 = arith.constant 0 : i32
        %get3A_575 = arith.index_cast %get3A_574 : i32 to index
        %get3A_576 = arith.index_cast %add3A_566 : i32 to index
        %get3A_577 = arith.constant 16 : index
        %get3A_578 = tpu.vector_load %arg6[%get3A_575, %get3A_576, %get3A_577] {strides = array<i32>} : memref<2x200x128xf32, #tpu.memory_space<vmem>>, vector<1x1x16xf32>,
        %get3A_579 = vector.shape_cast %get3A_578 : vector<1x1x16xf32> to vector<16xf32>
        %add3A_580 = arith.addf %add3A_548, %get3A_579 : vector<16xf32>
        %get3A_581 = arith.constant 0 : i32
        %get3A_582 = arith.index_cast %get3A_581 : i32 to index
        %get3A_583 = arith.index_cast %add3A_566 : i32 to index
        %get3A_584 = arith.constant 32 : index
        %get3A_585 = tpu.vector_load %arg6[%get3A_582, %get3A_583, %get3A_584] {strides = array<i32>} : memref<2x200x128xf32, #tpu.memory_space<vmem>>, vector<1x1x16xf32>,
        %get3A_586 = vector.shape_cast %get3A_585 : vector<1x1x16xf32> to vector<16xf32>
        %add3A_587 = arith.addf %add3A_555, %get3A_586 : vector<16xf32>
        %get3A_588 = arith.constant 0 : i32
        %get3A_589 = arith.index_cast %get3A_588 : i32 to index
        %get3A_590 = arith.index_cast %add3A_566 : i32 to index
        %get3A_591 = arith.constant 48 : index
        %get3A_592 = tpu.vector_load %arg6[%get3A_589, %get3A_590, %get3A_591] {strides = array<i32>} : memref<2x200x128xf32, #tpu.memory_space<vmem>>, vector<1x1x16xf32>,
        %get3A_593 = vector.shape_cast %get3A_592 : vector<1x1x16xf32> to vector<16xf32>
        %add3A_594 = arith.addf %add3A_562, %get3A_593 : vector<16xf32>
        scf.yield %add3A_573, %add3A_580, %add3A_587, %add3A_594 : vector<16xf32>, vector<16xf32>, vector<16xf32>, vector<16xf32>
      }
      %scan3A_206 = arith.constant 25 : i32
      %swap3A_207 = arith.index_cast %mul3A_174 : i32 to index
      %swap3A_208 = arith.constant 0 : index
      %swap3A_209 = tpu.vector_load %arg7[%swap3A_207, %swap3A_208] {strides = array<i32>} : memref<128x64xf32, #tpu.memory_space<vmem>>, vector<1x16xf32>,
      %swap3A_210 = vector.shape_cast %swap3A_209 : vector<1x16xf32> to vector<16xf32>
      %swap3A_211 = vector.shape_cast %scan3A_205#0 : vector<16xf32> to vector<1x16xf32>
      tpu.vector_store %arg7[%swap3A_207, %swap3A_208], %swap3A_211 {strides = array<i32>} : memref<128x64xf32, #tpu.memory_space<vmem>>, vector<1x16xf32>,
      %swap3A_212 = arith.index_cast %mul3A_174 : i32 to index
      %swap3A_213 = arith.constant 16 : index
      %swap3A_214 = tpu.vector_load %arg7[%swap3A_212, %swap3A_213] {strides = array<i32>} : memref<128x64xf32, #tpu.memory_space<vmem>>, vector<1x16xf32>,
      %swap3A_215 = vector.shape_cast %swap3A_214 : vector<1x16xf32> to vector<16xf32>
      %swap3A_216 = vector.shape_cast %scan3A_205#1 : vector<16xf32> to vector<1x16xf32>
      tpu.vector_store %arg7[%swap3A_212, %swap3A_213], %swap3A_216 {strides = array<i32>} : memref<128x64xf32, #tpu.memory_space<vmem>>, vector<1x16xf32>,
      %swap3A_217 = arith.index_cast %mul3A_174 : i32 to index
      %swap3A_218 = arith.constant 32 : index
      %swap3A_219 = tpu.vector_load %arg7[%swap3A_217, %swap3A_218] {strides = array<i32>} : memref<128x64xf32, #tpu.memory_space<vmem>>, vector<1x16xf32>,
      %swap3A_220 = vector.shape_cast %swap3A_219 : vector<1x16xf32> to vector<16xf32>
      %swap3A_221 = vector.shape_cast %scan3A_205#2 : vector<16xf32> to vector<1x16xf32>
      tpu.vector_store %arg7[%swap3A_217, %swap3A_218], %swap3A_221 {strides = array<i32>} : memref<128x64xf32, #tpu.memory_space<vmem>>, vector<1x16xf32>,
      %swap3A_222 = arith.index_cast %mul3A_174 : i32 to index
      %swap3A_223 = arith.constant 48 : index
      %swap3A_224 = tpu.vector_load %arg7[%swap3A_222, %swap3A_223] {strides = array<i32>} : memref<128x64xf32, #tpu.memory_space<vmem>>, vector<1x16xf32>,
      %swap3A_225 = vector.shape_cast %swap3A_224 : vector<1x16xf32> to vector<16xf32>
      %swap3A_226 = vector.shape_cast %scan3A_205#3 : vector<16xf32> to vector<1x16xf32>
      tpu.vector_store %arg7[%swap3A_222, %swap3A_223], %swap3A_226 {strides = array<i32>} : memref<128x64xf32, #tpu.memory_space<vmem>>, vector<1x16xf32>,
      %add3A_227 = arith.constant 2 : i32
      %add3A_228 = arith.addi %mul3A_174, %add3A_227 : i32
      %dma_start3A_229 = arith.constant 0 : i32
      %dma_start3A_230 = arith.constant 0 : i32
      %dma_start3A_231 = arith.constant 0 : i32
      %dma_start3A_232 = arith.constant 0 : i32
      %dma_start3A_233 = tpu.memref_slice %arg6[%dma_start3A_230, %dma_start3A_231, %dma_start3A_232] : memref<2x200x128xf32, #tpu.memory_space<vmem>> -> memref<1x100x128xf32, #tpu.memory_space<vmem>>
      %dma_start3A_234 = tpu.memref_squeeze %dma_start3A_233 : memref<1x100x128xf32, #tpu.memory_space<vmem>> -> memref<100x128xf32, #tpu.memory_space<vmem>>
      %dma_start3A_235 = arith.constant 0 : i32
      %dma_start3A_236 = tpu.memref_slice %arg5[%add3A_228, %dma_start3A_229, %dma_start3A_235] : memref<128x2x100xi32, #tpu.memory_space<vmem>> -> memref<1x1x100xi32, #tpu.memory_space<vmem>>
      %dma_start3A_237 = tpu.memref_squeeze %dma_start3A_236 : memref<1x1x100xi32, #tpu.memory_space<vmem>> -> memref<100xi32, #tpu.memory_space<vmem>>
      %dma_start3A_238 = arith.constant 0 : i32
      %dma_start3A_239 = arith.constant 0 : i32
      %dma_start3A_240 = tpu.memref_slice %arg3[%dma_start3A_238, %dma_start3A_239] : memref<100000x128xf32, #tpu.memory_space<hbm>> -> memref<100000x128xf32, #tpu.memory_space<hbm>>
      tpu.enqueue_indirect_dma source(%dma_start3A_240 : memref<100000x128xf32, #tpu.memory_space<hbm>>) target(%dma_start3A_234 : memref<100x128xf32, #tpu.memory_space<vmem>>) offsets(%dma_start3A_237 : memref<100xi32, #tpu.memory_space<vmem>>) semaphore(%arg8 : memref<!tpu.dma_semaphore, #tpu.memory_space<semaphore_mem>>)
      %dma_start3A_241 = arith.constant 1 : i32
      %dma_start3A_242 = arith.constant 0 : i32
      %dma_start3A_243 = arith.constant 100 : i32
      %dma_start3A_244 = arith.constant 0 : i32
      %dma_start3A_245 = tpu.memref_slice %arg6[%dma_start3A_242, %dma_start3A_243, %dma_start3A_244] : memref<2x200x128xf32, #tpu.memory_space<vmem>> -> memref<1x100x128xf32, #tpu.memory_space<vmem>>
      %dma_start3A_246 = tpu.memref_squeeze %dma_start3A_245 : memref<1x100x128xf32, #tpu.memory_space<vmem>> -> memref<100x128xf32, #tpu.memory_space<vmem>>
      %dma_start3A_247 = arith.constant 0 : i32
      %dma_start3A_248 = tpu.memref_slice %arg5[%add3A_228, %dma_start3A_241, %dma_start3A_247] : memref<128x2x100xi32, #tpu.memory_space<vmem>> -> memref<1x1x100xi32, #tpu.memory_space<vmem>>
      %dma_start3A_249 = tpu.memref_squeeze %dma_start3A_248 : memref<1x1x100xi32, #tpu.memory_space<vmem>> -> memref<100xi32, #tpu.memory_space<vmem>>
      %dma_start3A_250 = arith.constant 0 : i32
      %dma_start3A_251 = arith.constant 0 : i32
      %dma_start3A_252 = tpu.memref_slice %arg3[%dma_start3A_250, %dma_start3A_251] : memref<100000x128xf32, #tpu.memory_space<hbm>> -> memref<100000x128xf32, #tpu.memory_space<hbm>>
      tpu.enqueue_indirect_dma source(%dma_start3A_252 : memref<100000x128xf32, #tpu.memory_space<hbm>>) target(%dma_start3A_246 : memref<100x128xf32, #tpu.memory_space<vmem>>) offsets(%dma_start3A_249 : memref<100xi32, #tpu.memory_space<vmem>>) semaphore(%arg8 : memref<!tpu.dma_semaphore, #tpu.memory_space<semaphore_mem>>)
      %add3A_253 = arith.constant 1 : i32
      %add3A_254 = arith.addi %mul3A_174, %add3A_253 : i32
      %dma_wait3A_255 = arith.constant 0 : i32
      %dma_wait3A_256 = arith.constant 1 : i32
      %dma_wait3A_257 = arith.constant 0 : i32
      %dma_wait3A_258 = arith.constant 0 : i32
      %dma_wait3A_259 = tpu.memref_slice %arg6[%dma_wait3A_256, %dma_wait3A_257, %dma_wait3A_258] : memref<2x200x128xf32, #tpu.memory_space<vmem>> -> memref<1x100x128xf32, #tpu.memory_space<vmem>>
      %dma_wait3A_260 = tpu.memref_squeeze %dma_wait3A_259 : memref<1x100x128xf32, #tpu.memory_space<vmem>> -> memref<100x128xf32, #tpu.memory_space<vmem>>
      %dma_wait3A_261 = arith.constant 0 : i32
      %dma_wait3A_262 = tpu.memref_slice %arg5[%add3A_254, %dma_wait3A_255, %dma_wait3A_261] : memref<128x2x100xi32, #tpu.memory_space<vmem>> -> memref<1x1x100xi32, #tpu.memory_space<vmem>>
      %dma_wait3A_263 = tpu.memref_squeeze %dma_wait3A_262 : memref<1x1x100xi32, #tpu.memory_space<vmem>> -> memref<100xi32, #tpu.memory_space<vmem>>
      %dma_wait3A_264 = arith.constant 0 : i32
      %dma_wait3A_265 = arith.constant 0 : i32
      %dma_wait3A_266 = tpu.memref_slice %arg3[%dma_wait3A_264, %dma_wait3A_265] : memref<100000x128xf32, #tpu.memory_space<hbm>> -> memref<100000x128xf32, #tpu.memory_space<hbm>>
      tpu.wait_indirect_dma semaphore(%arg9 : memref<!tpu.dma_semaphore, #tpu.memory_space<semaphore_mem>>) src(%dma_wait3A_266 : memref<100000x128xf32, #tpu.memory_space<hbm>>) dst(%dma_wait3A_260 : memref<100x128xf32, #tpu.memory_space<vmem>>)
      %dma_wait3A_267 = arith.constant 1 : i32
      %dma_wait3A_268 = arith.constant 1 : i32
      %dma_wait3A_269 = arith.constant 100 : i32
      %dma_wait3A_270 = arith.constant 0 : i32
      %dma_wait3A_271 = tpu.memref_slice %arg6[%dma_wait3A_268, %dma_wait3A_269, %dma_wait3A_270] : memref<2x200x128xf32, #tpu.memory_space<vmem>> -> memref<1x100x128xf32, #tpu.memory_space<vmem>>
      %dma_wait3A_272 = tpu.memref_squeeze %dma_wait3A_271 : memref<1x100x128xf32, #tpu.memory_space<vmem>> -> memref<100x128xf32, #tpu.memory_space<vmem>>
      %dma_wait3A_273 = arith.constant 0 : i32
      %dma_wait3A_274 = tpu.memref_slice %arg5[%add3A_254, %dma_wait3A_267, %dma_wait3A_273] : memref<128x2x100xi32, #tpu.memory_space<vmem>> -> memref<1x1x100xi32, #tpu.memory_space<vmem>>
      %dma_wait3A_275 = tpu.memref_squeeze %dma_wait3A_274 : memref<1x1x100xi32, #tpu.memory_space<vmem>> -> memref<100xi32, #tpu.memory_space<vmem>>
      %dma_wait3A_276 = arith.constant 0 : i32
      %dma_wait3A_277 = arith.constant 0 : i32
      %dma_wait3A_278 = tpu.memref_slice %arg3[%dma_wait3A_276, %dma_wait3A_277] : memref<100000x128xf32, #tpu.memory_space<hbm>> -> memref<100000x128xf32, #tpu.memory_space<hbm>>
      tpu.wait_indirect_dma semaphore(%arg9 : memref<!tpu.dma_semaphore, #tpu.memory_space<semaphore_mem>>) src(%dma_wait3A_278 : memref<100000x128xf32, #tpu.memory_space<hbm>>) dst(%dma_wait3A_272 : memref<100x128xf32, #tpu.memory_space<vmem>>)
      %add3A_279 = arith.constant 1 : i32
      %add3A_280 = arith.addi %mul3A_174, %add3A_279 : i32
      %broadcast_in_dim3A_281 = arith.constant 0.000000e+00 : f32
      %broadcast_in_dim3A_282 = vector.broadcast %broadcast_in_dim3A_281 : f32 to vector<16xf32>
      %scan3A_283 = arith.constant 0 : i32
      %scan3A_284 = arith.constant 25 : i32
      %scan3A_285 = arith.addi %scan3A_283, %scan3A_284 : i32
      %scan3A_286 = arith.constant 1 : i32
      %scan3A_287:4 = scf.for %scan3A_335 = %scan3A_283 to %scan3A_285 step %scan3A_286 iter_args(%scan3A_336 = %broadcast_in_dim3A_282, %scan3A_337 = %broadcast_in_dim3A_282, %scan3A_338 = %broadcast_in_dim3A_282, %scan3A_339 = %broadcast_in_dim3A_282) -> (vector<16xf32>, vector<16xf32>, vector<16xf32>, vector<16xf32>)  : i32 {
        %mul3A_340 = arith.constant 8 : i32
        %mul3A_341 = arith.muli %scan3A_335, %mul3A_340 : i32
        %add3A_342 = arith.constant 0 : i32
        %add3A_343 = arith.addi %mul3A_341, %add3A_342 : i32
        %get3A = arith.constant 1 : i32
        %get3A_344 = arith.index_cast %get3A : i32 to index
        %get3A_345 = arith.index_cast %add3A_343 : i32 to index
        %get3A_346 = arith.constant 0 : index
        %get3A_347 = tpu.vector_load %arg6[%get3A_344, %get3A_345, %get3A_346] {strides = array<i32>} : memref<2x200x128xf32, #tpu.memory_space<vmem>>, vector<1x1x16xf32>,
        %get3A_348 = vector.shape_cast %get3A_347 : vector<1x1x16xf32> to vector<16xf32>
        %add3A_349 = arith.addf %scan3A_336, %get3A_348 : vector<16xf32>
        %get3A_350 = arith.constant 1 : i32
        %get3A_351 = arith.index_cast %get3A_350 : i32 to index
        %get3A_352 = arith.index_cast %add3A_343 : i32 to index
        %get3A_353 = arith.constant 16 : index
        %get3A_354 = tpu.vector_load %arg6[%get3A_351, %get3A_352, %get3A_353] {strides = array<i32>} : memref<2x200x128xf32, #tpu.memory_space<vmem>>, vector<1x1x16xf32>,
        %get3A_355 = vector.shape_cast %get3A_354 : vector<1x1x16xf32> to vector<16xf32>
        %add3A_356 = arith.addf %scan3A_337, %get3A_355 : vector<16xf32>
        %get3A_357 = arith.constant 1 : i32
        %get3A_358 = arith.index_cast %get3A_357 : i32 to index
        %get3A_359 = arith.index_cast %add3A_343 : i32 to index
        %get3A_360 = arith.constant 32 : index
        %get3A_361 = tpu.vector_load %arg6[%get3A_358, %get3A_359, %get3A_360] {strides = array<i32>} : memref<2x200x128xf32, #tpu.memory_space<vmem>>, vector<1x1x16xf32>,
        %get3A_362 = vector.shape_cast %get3A_361 : vector<1x1x16xf32> to vector<16xf32>
        %add3A_363 = arith.addf %scan3A_338, %get3A_362 : vector<16xf32>
        %get3A_364 = arith.constant 1 : i32
        %get3A_365 = arith.index_cast %get3A_364 : i32 to index
        %get3A_366 = arith.index_cast %add3A_343 : i32 to index
        %get3A_367 = arith.constant 48 : index
        %get3A_368 = tpu.vector_load %arg6[%get3A_365, %get3A_366, %get3A_367] {strides = array<i32>} : memref<2x200x128xf32, #tpu.memory_space<vmem>>, vector<1x1x16xf32>,
        %get3A_369 = vector.shape_cast %get3A_368 : vector<1x1x16xf32> to vector<16xf32>
        %add3A_370 = arith.addf %scan3A_339, %get3A_369 : vector<16xf32>
        %mul3A_371 = arith.constant 8 : i32
        %mul3A_372 = arith.muli %scan3A_335, %mul3A_371 : i32
        %add3A_373 = arith.constant 1 : i32
        %add3A_374 = arith.addi %mul3A_372, %add3A_373 : i32
        %get3A_375 = arith.constant 1 : i32
        %get3A_376 = arith.index_cast %get3A_375 : i32 to index
        %get3A_377 = arith.index_cast %add3A_374 : i32 to index
        %get3A_378 = arith.constant 0 : index
        %get3A_379 = tpu.vector_load %arg6[%get3A_376, %get3A_377, %get3A_378] {strides = array<i32>} : memref<2x200x128xf32, #tpu.memory_space<vmem>>, vector<1x1x16xf32>,
        %get3A_380 = vector.shape_cast %get3A_379 : vector<1x1x16xf32> to vector<16xf32>
        %add3A_381 = arith.addf %add3A_349, %get3A_380 : vector<16xf32>
        %get3A_382 = arith.constant 1 : i32
        %get3A_383 = arith.index_cast %get3A_382 : i32 to index
        %get3A_384 = arith.index_cast %add3A_374 : i32 to index
        %get3A_385 = arith.constant 16 : index
        %get3A_386 = tpu.vector_load %arg6[%get3A_383, %get3A_384, %get3A_385] {strides = array<i32>} : memref<2x200x128xf32, #tpu.memory_space<vmem>>, vector<1x1x16xf32>,
        %get3A_387 = vector.shape_cast %get3A_386 : vector<1x1x16xf32> to vector<16xf32>
        %add3A_388 = arith.addf %add3A_356, %get3A_387 : vector<16xf32>
        %get3A_389 = arith.constant 1 : i32
        %get3A_390 = arith.index_cast %get3A_389 : i32 to index
        %get3A_391 = arith.index_cast %add3A_374 : i32 to index
        %get3A_392 = arith.constant 32 : index
        %get3A_393 = tpu.vector_load %arg6[%get3A_390, %get3A_391, %get3A_392] {strides = array<i32>} : memref<2x200x128xf32, #tpu.memory_space<vmem>>, vector<1x1x16xf32>,
        %get3A_394 = vector.shape_cast %get3A_393 : vector<1x1x16xf32> to vector<16xf32>
        %add3A_395 = arith.addf %add3A_363, %get3A_394 : vector<16xf32>
        %get3A_396 = arith.constant 1 : i32
        %get3A_397 = arith.index_cast %get3A_396 : i32 to index
        %get3A_398 = arith.index_cast %add3A_374 : i32 to index
        %get3A_399 = arith.constant 48 : index
        %get3A_400 = tpu.vector_load %arg6[%get3A_397, %get3A_398, %get3A_399] {strides = array<i32>} : memref<2x200x128xf32, #tpu.memory_space<vmem>>, vector<1x1x16xf32>,
        %get3A_401 = vector.shape_cast %get3A_400 : vector<1x1x16xf32> to vector<16xf32>
        %add3A_402 = arith.addf %add3A_370, %get3A_401 : vector<16xf32>
        %mul3A_403 = arith.constant 8 : i32
        %mul3A_404 = arith.muli %scan3A_335, %mul3A_403 : i32
        %add3A_405 = arith.constant 2 : i32
        %add3A_406 = arith.addi %mul3A_404, %add3A_405 : i32
        %get3A_407 = arith.constant 1 : i32
        %get3A_408 = arith.index_cast %get3A_407 : i32 to index
        %get3A_409 = arith.index_cast %add3A_406 : i32 to index
        %get3A_410 = arith.constant 0 : index
        %get3A_411 = tpu.vector_load %arg6[%get3A_408, %get3A_409, %get3A_410] {strides = array<i32>} : memref<2x200x128xf32, #tpu.memory_space<vmem>>, vector<1x1x16xf32>,
        %get3A_412 = vector.shape_cast %get3A_411 : vector<1x1x16xf32> to vector<16xf32>
        %add3A_413 = arith.addf %add3A_381, %get3A_412 : vector<16xf32>
        %get3A_414 = arith.constant 1 : i32
        %get3A_415 = arith.index_cast %get3A_414 : i32 to index
        %get3A_416 = arith.index_cast %add3A_406 : i32 to index
        %get3A_417 = arith.constant 16 : index
        %get3A_418 = tpu.vector_load %arg6[%get3A_415, %get3A_416, %get3A_417] {strides = array<i32>} : memref<2x200x128xf32, #tpu.memory_space<vmem>>, vector<1x1x16xf32>,
        %get3A_419 = vector.shape_cast %get3A_418 : vector<1x1x16xf32> to vector<16xf32>
        %add3A_420 = arith.addf %add3A_388, %get3A_419 : vector<16xf32>
        %get3A_421 = arith.constant 1 : i32
        %get3A_422 = arith.index_cast %get3A_421 : i32 to index
        %get3A_423 = arith.index_cast %add3A_406 : i32 to index
        %get3A_424 = arith.constant 32 : index
        %get3A_425 = tpu.vector_load %arg6[%get3A_422, %get3A_423, %get3A_424] {strides = array<i32>} : memref<2x200x128xf32, #tpu.memory_space<vmem>>, vector<1x1x16xf32>,
        %get3A_426 = vector.shape_cast %get3A_425 : vector<1x1x16xf32> to vector<16xf32>
        %add3A_427 = arith.addf %add3A_395, %get3A_426 : vector<16xf32>
        %get3A_428 = arith.constant 1 : i32
        %get3A_429 = arith.index_cast %get3A_428 : i32 to index
        %get3A_430 = arith.index_cast %add3A_406 : i32 to index
        %get3A_431 = arith.constant 48 : index
        %get3A_432 = tpu.vector_load %arg6[%get3A_429, %get3A_430, %get3A_431] {strides = array<i32>} : memref<2x200x128xf32, #tpu.memory_space<vmem>>, vector<1x1x16xf32>,
        %get3A_433 = vector.shape_cast %get3A_432 : vector<1x1x16xf32> to vector<16xf32>
        %add3A_434 = arith.addf %add3A_402, %get3A_433 : vector<16xf32>
        %mul3A_435 = arith.constant 8 : i32
        %mul3A_436 = arith.muli %scan3A_335, %mul3A_435 : i32
        %add3A_437 = arith.constant 3 : i32
        %add3A_438 = arith.addi %mul3A_436, %add3A_437 : i32
        %get3A_439 = arith.constant 1 : i32
        %get3A_440 = arith.index_cast %get3A_439 : i32 to index
        %get3A_441 = arith.index_cast %add3A_438 : i32 to index
        %get3A_442 = arith.constant 0 : index
        %get3A_443 = tpu.vector_load %arg6[%get3A_440, %get3A_441, %get3A_442] {strides = array<i32>} : memref<2x200x128xf32, #tpu.memory_space<vmem>>, vector<1x1x16xf32>,
        %get3A_444 = vector.shape_cast %get3A_443 : vector<1x1x16xf32> to vector<16xf32>
        %add3A_445 = arith.addf %add3A_413, %get3A_444 : vector<16xf32>
        %get3A_446 = arith.constant 1 : i32
        %get3A_447 = arith.index_cast %get3A_446 : i32 to index
        %get3A_448 = arith.index_cast %add3A_438 : i32 to index
        %get3A_449 = arith.constant 16 : index
        %get3A_450 = tpu.vector_load %arg6[%get3A_447, %get3A_448, %get3A_449] {strides = array<i32>} : memref<2x200x128xf32, #tpu.memory_space<vmem>>, vector<1x1x16xf32>,
        %get3A_451 = vector.shape_cast %get3A_450 : vector<1x1x16xf32> to vector<16xf32>
        %add3A_452 = arith.addf %add3A_420, %get3A_451 : vector<16xf32>
        %get3A_453 = arith.constant 1 : i32
        %get3A_454 = arith.index_cast %get3A_453 : i32 to index
        %get3A_455 = arith.index_cast %add3A_438 : i32 to index
        %get3A_456 = arith.constant 32 : index
        %get3A_457 = tpu.vector_load %arg6[%get3A_454, %get3A_455, %get3A_456] {strides = array<i32>} : memref<2x200x128xf32, #tpu.memory_space<vmem>>, vector<1x1x16xf32>,
        %get3A_458 = vector.shape_cast %get3A_457 : vector<1x1x16xf32> to vector<16xf32>
        %add3A_459 = arith.addf %add3A_427, %get3A_458 : vector<16xf32>
        %get3A_460 = arith.constant 1 : i32
        %get3A_461 = arith.index_cast %get3A_460 : i32 to index
        %get3A_462 = arith.index_cast %add3A_438 : i32 to index
        %get3A_463 = arith.constant 48 : index
        %get3A_464 = tpu.vector_load %arg6[%get3A_461, %get3A_462, %get3A_463] {strides = array<i32>} : memref<2x200x128xf32, #tpu.memory_space<vmem>>, vector<1x1x16xf32>,
        %get3A_465 = vector.shape_cast %get3A_464 : vector<1x1x16xf32> to vector<16xf32>
        %add3A_466 = arith.addf %add3A_434, %get3A_465 : vector<16xf32>
        %mul3A_467 = arith.constant 8 : i32
        %mul3A_468 = arith.muli %scan3A_335, %mul3A_467 : i32
        %add3A_469 = arith.constant 4 : i32
        %add3A_470 = arith.addi %mul3A_468, %add3A_469 : i32
        %get3A_471 = arith.constant 1 : i32
        %get3A_472 = arith.index_cast %get3A_471 : i32 to index
        %get3A_473 = arith.index_cast %add3A_470 : i32 to index
        %get3A_474 = arith.constant 0 : index
        %get3A_475 = tpu.vector_load %arg6[%get3A_472, %get3A_473, %get3A_474] {strides = array<i32>} : memref<2x200x128xf32, #tpu.memory_space<vmem>>, vector<1x1x16xf32>,
        %get3A_476 = vector.shape_cast %get3A_475 : vector<1x1x16xf32> to vector<16xf32>
        %add3A_477 = arith.addf %add3A_445, %get3A_476 : vector<16xf32>
        %get3A_478 = arith.constant 1 : i32
        %get3A_479 = arith.index_cast %get3A_478 : i32 to index
        %get3A_480 = arith.index_cast %add3A_470 : i32 to index
        %get3A_481 = arith.constant 16 : index
        %get3A_482 = tpu.vector_load %arg6[%get3A_479, %get3A_480, %get3A_481] {strides = array<i32>} : memref<2x200x128xf32, #tpu.memory_space<vmem>>, vector<1x1x16xf32>,
        %get3A_483 = vector.shape_cast %get3A_482 : vector<1x1x16xf32> to vector<16xf32>
        %add3A_484 = arith.addf %add3A_452, %get3A_483 : vector<16xf32>
        %get3A_485 = arith.constant 1 : i32
        %get3A_486 = arith.index_cast %get3A_485 : i32 to index
        %get3A_487 = arith.index_cast %add3A_470 : i32 to index
        %get3A_488 = arith.constant 32 : index
        %get3A_489 = tpu.vector_load %arg6[%get3A_486, %get3A_487, %get3A_488] {strides = array<i32>} : memref<2x200x128xf32, #tpu.memory_space<vmem>>, vector<1x1x16xf32>,
        %get3A_490 = vector.shape_cast %get3A_489 : vector<1x1x16xf32> to vector<16xf32>
        %add3A_491 = arith.addf %add3A_459, %get3A_490 : vector<16xf32>
        %get3A_492 = arith.constant 1 : i32
        %get3A_493 = arith.index_cast %get3A_492 : i32 to index
        %get3A_494 = arith.index_cast %add3A_470 : i32 to index
        %get3A_495 = arith.constant 48 : index
        %get3A_496 = tpu.vector_load %arg6[%get3A_493, %get3A_494, %get3A_495] {strides = array<i32>} : memref<2x200x128xf32, #tpu.memory_space<vmem>>, vector<1x1x16xf32>,
        %get3A_497 = vector.shape_cast %get3A_496 : vector<1x1x16xf32> to vector<16xf32>
        %add3A_498 = arith.addf %add3A_466, %get3A_497 : vector<16xf32>
        %mul3A_499 = arith.constant 8 : i32
        %mul3A_500 = arith.muli %scan3A_335, %mul3A_499 : i32
        %add3A_501 = arith.constant 5 : i32
        %add3A_502 = arith.addi %mul3A_500, %add3A_501 : i32
        %get3A_503 = arith.constant 1 : i32
        %get3A_504 = arith.index_cast %get3A_503 : i32 to index
        %get3A_505 = arith.index_cast %add3A_502 : i32 to index
        %get3A_506 = arith.constant 0 : index
        %get3A_507 = tpu.vector_load %arg6[%get3A_504, %get3A_505, %get3A_506] {strides = array<i32>} : memref<2x200x128xf32, #tpu.memory_space<vmem>>, vector<1x1x16xf32>,
        %get3A_508 = vector.shape_cast %get3A_507 : vector<1x1x16xf32> to vector<16xf32>
        %add3A_509 = arith.addf %add3A_477, %get3A_508 : vector<16xf32>
        %get3A_510 = arith.constant 1 : i32
        %get3A_511 = arith.index_cast %get3A_510 : i32 to index
        %get3A_512 = arith.index_cast %add3A_502 : i32 to index
        %get3A_513 = arith.constant 16 : index
        %get3A_514 = tpu.vector_load %arg6[%get3A_511, %get3A_512, %get3A_513] {strides = array<i32>} : memref<2x200x128xf32, #tpu.memory_space<vmem>>, vector<1x1x16xf32>,
        %get3A_515 = vector.shape_cast %get3A_514 : vector<1x1x16xf32> to vector<16xf32>
        %add3A_516 = arith.addf %add3A_484, %get3A_515 : vector<16xf32>
        %get3A_517 = arith.constant 1 : i32
        %get3A_518 = arith.index_cast %get3A_517 : i32 to index
        %get3A_519 = arith.index_cast %add3A_502 : i32 to index
        %get3A_520 = arith.constant 32 : index
        %get3A_521 = tpu.vector_load %arg6[%get3A_518, %get3A_519, %get3A_520] {strides = array<i32>} : memref<2x200x128xf32, #tpu.memory_space<vmem>>, vector<1x1x16xf32>,
        %get3A_522 = vector.shape_cast %get3A_521 : vector<1x1x16xf32> to vector<16xf32>
        %add3A_523 = arith.addf %add3A_491, %get3A_522 : vector<16xf32>
        %get3A_524 = arith.constant 1 : i32
        %get3A_525 = arith.index_cast %get3A_524 : i32 to index
        %get3A_526 = arith.index_cast %add3A_502 : i32 to index
        %get3A_527 = arith.constant 48 : index
        %get3A_528 = tpu.vector_load %arg6[%get3A_525, %get3A_526, %get3A_527] {strides = array<i32>} : memref<2x200x128xf32, #tpu.memory_space<vmem>>, vector<1x1x16xf32>,
        %get3A_529 = vector.shape_cast %get3A_528 : vector<1x1x16xf32> to vector<16xf32>
        %add3A_530 = arith.addf %add3A_498, %get3A_529 : vector<16xf32>
        %mul3A_531 = arith.constant 8 : i32
        %mul3A_532 = arith.muli %scan3A_335, %mul3A_531 : i32
        %add3A_533 = arith.constant 6 : i32
        %add3A_534 = arith.addi %mul3A_532, %add3A_533 : i32
        %get3A_535 = arith.constant 1 : i32
        %get3A_536 = arith.index_cast %get3A_535 : i32 to index
        %get3A_537 = arith.index_cast %add3A_534 : i32 to index
        %get3A_538 = arith.constant 0 : index
        %get3A_539 = tpu.vector_load %arg6[%get3A_536, %get3A_537, %get3A_538] {strides = array<i32>} : memref<2x200x128xf32, #tpu.memory_space<vmem>>, vector<1x1x16xf32>,
        %get3A_540 = vector.shape_cast %get3A_539 : vector<1x1x16xf32> to vector<16xf32>
        %add3A_541 = arith.addf %add3A_509, %get3A_540 : vector<16xf32>
        %get3A_542 = arith.constant 1 : i32
        %get3A_543 = arith.index_cast %get3A_542 : i32 to index
        %get3A_544 = arith.index_cast %add3A_534 : i32 to index
        %get3A_545 = arith.constant 16 : index
        %get3A_546 = tpu.vector_load %arg6[%get3A_543, %get3A_544, %get3A_545] {strides = array<i32>} : memref<2x200x128xf32, #tpu.memory_space<vmem>>, vector<1x1x16xf32>,
        %get3A_547 = vector.shape_cast %get3A_546 : vector<1x1x16xf32> to vector<16xf32>
        %add3A_548 = arith.addf %add3A_516, %get3A_547 : vector<16xf32>
        %get3A_549 = arith.constant 1 : i32
        %get3A_550 = arith.index_cast %get3A_549 : i32 to index
        %get3A_551 = arith.index_cast %add3A_534 : i32 to index
        %get3A_552 = arith.constant 32 : index
        %get3A_553 = tpu.vector_load %arg6[%get3A_550, %get3A_551, %get3A_552] {strides = array<i32>} : memref<2x200x128xf32, #tpu.memory_space<vmem>>, vector<1x1x16xf32>,
        %get3A_554 = vector.shape_cast %get3A_553 : vector<1x1x16xf32> to vector<16xf32>
        %add3A_555 = arith.addf %add3A_523, %get3A_554 : vector<16xf32>
        %get3A_556 = arith.constant 1 : i32
        %get3A_557 = arith.index_cast %get3A_556 : i32 to index
        %get3A_558 = arith.index_cast %add3A_534 : i32 to index
        %get3A_559 = arith.constant 48 : index
        %get3A_560 = tpu.vector_load %arg6[%get3A_557, %get3A_558, %get3A_559] {strides = array<i32>} : memref<2x200x128xf32, #tpu.memory_space<vmem>>, vector<1x1x16xf32>,
        %get3A_561 = vector.shape_cast %get3A_560 : vector<1x1x16xf32> to vector<16xf32>
        %add3A_562 = arith.addf %add3A_530, %get3A_561 : vector<16xf32>
        %mul3A_563 = arith.constant 8 : i32
        %mul3A_564 = arith.muli %scan3A_335, %mul3A_563 : i32
        %add3A_565 = arith.constant 7 : i32
        %add3A_566 = arith.addi %mul3A_564, %add3A_565 : i32
        %get3A_567 = arith.constant 1 : i32
        %get3A_568 = arith.index_cast %get3A_567 : i32 to index
        %get3A_569 = arith.index_cast %add3A_566 : i32 to index
        %get3A_570 = arith.constant 0 : index
        %get3A_571 = tpu.vector_load %arg6[%get3A_568, %get3A_569, %get3A_570] {strides = array<i32>} : memref<2x200x128xf32, #tpu.memory_space<vmem>>, vector<1x1x16xf32>,
        %get3A_572 = vector.shape_cast %get3A_571 : vector<1x1x16xf32> to vector<16xf32>
        %add3A_573 = arith.addf %add3A_541, %get3A_572 : vector<16xf32>
        %get3A_574 = arith.constant 1 : i32
        %get3A_575 = arith.index_cast %get3A_574 : i32 to index
        %get3A_576 = arith.index_cast %add3A_566 : i32 to index
        %get3A_577 = arith.constant 16 : index
        %get3A_578 = tpu.vector_load %arg6[%get3A_575, %get3A_576, %get3A_577] {strides = array<i32>} : memref<2x200x128xf32, #tpu.memory_space<vmem>>, vector<1x1x16xf32>,
        %get3A_579 = vector.shape_cast %get3A_578 : vector<1x1x16xf32> to vector<16xf32>
        %add3A_580 = arith.addf %add3A_548, %get3A_579 : vector<16xf32>
        %get3A_581 = arith.constant 1 : i32
        %get3A_582 = arith.index_cast %get3A_581 : i32 to index
        %get3A_583 = arith.index_cast %add3A_566 : i32 to index
        %get3A_584 = arith.constant 32 : index
        %get3A_585 = tpu.vector_load %arg6[%get3A_582, %get3A_583, %get3A_584] {strides = array<i32>} : memref<2x200x128xf32, #tpu.memory_space<vmem>>, vector<1x1x16xf32>,
        %get3A_586 = vector.shape_cast %get3A_585 : vector<1x1x16xf32> to vector<16xf32>
        %add3A_587 = arith.addf %add3A_555, %get3A_586 : vector<16xf32>
        %get3A_588 = arith.constant 1 : i32
        %get3A_589 = arith.index_cast %get3A_588 : i32 to index
        %get3A_590 = arith.index_cast %add3A_566 : i32 to index
        %get3A_591 = arith.constant 48 : index
        %get3A_592 = tpu.vector_load %arg6[%get3A_589, %get3A_590, %get3A_591] {strides = array<i32>} : memref<2x200x128xf32, #tpu.memory_space<vmem>>, vector<1x1x16xf32>,
        %get3A_593 = vector.shape_cast %get3A_592 : vector<1x1x16xf32> to vector<16xf32>
        %add3A_594 = arith.addf %add3A_562, %get3A_593 : vector<16xf32>
        scf.yield %add3A_573, %add3A_580, %add3A_587, %add3A_594 : vector<16xf32>, vector<16xf32>, vector<16xf32>, vector<16xf32>
      }
      %scan3A_288 = arith.constant 25 : i32
      %swap3A_289 = arith.index_cast %add3A_280 : i32 to index
      %swap3A_290 = arith.constant 0 : index
      %swap3A_291 = tpu.vector_load %arg7[%swap3A_289, %swap3A_290] {strides = array<i32>} : memref<128x64xf32, #tpu.memory_space<vmem>>, vector<1x16xf32>,
      %swap3A_292 = vector.shape_cast %swap3A_291 : vector<1x16xf32> to vector<16xf32>
      %swap3A_293 = vector.shape_cast %scan3A_287#0 : vector<16xf32> to vector<1x16xf32>
      tpu.vector_store %arg7[%swap3A_289, %swap3A_290], %swap3A_293 {strides = array<i32>} : memref<128x64xf32, #tpu.memory_space<vmem>>, vector<1x16xf32>,
      %swap3A_294 = arith.index_cast %add3A_280 : i32 to index
      %swap3A_295 = arith.constant 16 : index
      %swap3A_296 = tpu.vector_load %arg7[%swap3A_294, %swap3A_295] {strides = array<i32>} : memref<128x64xf32, #tpu.memory_space<vmem>>, vector<1x16xf32>,
      %swap3A_297 = vector.shape_cast %swap3A_296 : vector<1x16xf32> to vector<16xf32>
      %swap3A_298 = vector.shape_cast %scan3A_287#1 : vector<16xf32> to vector<1x16xf32>
      tpu.vector_store %arg7[%swap3A_294, %swap3A_295], %swap3A_298 {strides = array<i32>} : memref<128x64xf32, #tpu.memory_space<vmem>>, vector<1x16xf32>,
      %swap3A_299 = arith.index_cast %add3A_280 : i32 to index
      %swap3A_300 = arith.constant 32 : index
      %swap3A_301 = tpu.vector_load %arg7[%swap3A_299, %swap3A_300] {strides = array<i32>} : memref<128x64xf32, #tpu.memory_space<vmem>>, vector<1x16xf32>,
      %swap3A_302 = vector.shape_cast %swap3A_301 : vector<1x16xf32> to vector<16xf32>
      %swap3A_303 = vector.shape_cast %scan3A_287#2 : vector<16xf32> to vector<1x16xf32>
      tpu.vector_store %arg7[%swap3A_299, %swap3A_300], %swap3A_303 {strides = array<i32>} : memref<128x64xf32, #tpu.memory_space<vmem>>, vector<1x16xf32>,
      %swap3A_304 = arith.index_cast %add3A_280 : i32 to index
      %swap3A_305 = arith.constant 48 : index
      %swap3A_306 = tpu.vector_load %arg7[%swap3A_304, %swap3A_305] {strides = array<i32>} : memref<128x64xf32, #tpu.memory_space<vmem>>, vector<1x16xf32>,
      %swap3A_307 = vector.shape_cast %swap3A_306 : vector<1x16xf32> to vector<16xf32>
      %swap3A_308 = vector.shape_cast %scan3A_287#3 : vector<16xf32> to vector<1x16xf32>
      tpu.vector_store %arg7[%swap3A_304, %swap3A_305], %swap3A_308 {strides = array<i32>} : memref<128x64xf32, #tpu.memory_space<vmem>>, vector<1x16xf32>,
      %add3A_309 = arith.constant 3 : i32
      %add3A_310 = arith.addi %mul3A_174, %add3A_309 : i32
      %dma_start3A_311 = arith.constant 0 : i32
      %dma_start3A_312 = arith.constant 1 : i32
      %dma_start3A_313 = arith.constant 0 : i32
      %dma_start3A_314 = arith.constant 0 : i32
      %dma_start3A_315 = tpu.memref_slice %arg6[%dma_start3A_312, %dma_start3A_313, %dma_start3A_314] : memref<2x200x128xf32, #tpu.memory_space<vmem>> -> memref<1x100x128xf32, #tpu.memory_space<vmem>>
      %dma_start3A_316 = tpu.memref_squeeze %dma_start3A_315 : memref<1x100x128xf32, #tpu.memory_space<vmem>> -> memref<100x128xf32, #tpu.memory_space<vmem>>
      %dma_start3A_317 = arith.constant 0 : i32
      %dma_start3A_318 = tpu.memref_slice %arg5[%add3A_310, %dma_start3A_311, %dma_start3A_317] : memref<128x2x100xi32, #tpu.memory_space<vmem>> -> memref<1x1x100xi32, #tpu.memory_space<vmem>>
      %dma_start3A_319 = tpu.memref_squeeze %dma_start3A_318 : memref<1x1x100xi32, #tpu.memory_space<vmem>> -> memref<100xi32, #tpu.memory_space<vmem>>
      %dma_start3A_320 = arith.constant 0 : i32
      %dma_start3A_321 = arith.constant 0 : i32
      %dma_start3A_322 = tpu.memref_slice %arg3[%dma_start3A_320, %dma_start3A_321] : memref<100000x128xf32, #tpu.memory_space<hbm>> -> memref<100000x128xf32, #tpu.memory_space<hbm>>
      tpu.enqueue_indirect_dma source(%dma_start3A_322 : memref<100000x128xf32, #tpu.memory_space<hbm>>) target(%dma_start3A_316 : memref<100x128xf32, #tpu.memory_space<vmem>>) offsets(%dma_start3A_319 : memref<100xi32, #tpu.memory_space<vmem>>) semaphore(%arg9 : memref<!tpu.dma_semaphore, #tpu.memory_space<semaphore_mem>>)
      %dma_start3A_323 = arith.constant 1 : i32
      %dma_start3A_324 = arith.constant 1 : i32
      %dma_start3A_325 = arith.constant 100 : i32
      %dma_start3A_326 = arith.constant 0 : i32
      %dma_start3A_327 = tpu.memref_slice %arg6[%dma_start3A_324, %dma_start3A_325, %dma_start3A_326] : memref<2x200x128xf32, #tpu.memory_space<vmem>> -> memref<1x100x128xf32, #tpu.memory_space<vmem>>
      %dma_start3A_328 = tpu.memref_squeeze %dma_start3A_327 : memref<1x100x128xf32, #tpu.memory_space<vmem>> -> memref<100x128xf32, #tpu.memory_space<vmem>>
      %dma_start3A_329 = arith.constant 0 : i32
      %dma_start3A_330 = tpu.memref_slice %arg5[%add3A_310, %dma_start3A_323, %dma_start3A_329] : memref<128x2x100xi32, #tpu.memory_space<vmem>> -> memref<1x1x100xi32, #tpu.memory_space<vmem>>
      %dma_start3A_331 = tpu.memref_squeeze %dma_start3A_330 : memref<1x1x100xi32, #tpu.memory_space<vmem>> -> memref<100xi32, #tpu.memory_space<vmem>>
      %dma_start3A_332 = arith.constant 0 : i32
      %dma_start3A_333 = arith.constant 0 : i32
      %dma_start3A_334 = tpu.memref_slice %arg3[%dma_start3A_332, %dma_start3A_333] : memref<100000x128xf32, #tpu.memory_space<hbm>> -> memref<100000x128xf32, #tpu.memory_space<hbm>>
      tpu.enqueue_indirect_dma source(%dma_start3A_334 : memref<100000x128xf32, #tpu.memory_space<hbm>>) target(%dma_start3A_328 : memref<100x128xf32, #tpu.memory_space<vmem>>) offsets(%dma_start3A_331 : memref<100xi32, #tpu.memory_space<vmem>>) semaphore(%arg9 : memref<!tpu.dma_semaphore, #tpu.memory_space<semaphore_mem>>)
    }
    %scan3A_58 = arith.constant 63 : i32
    %dma_wait3A = arith.constant 126 : i32
    %dma_wait3A_59 = arith.constant 0 : i32
    %dma_wait3A_60 = arith.constant 0 : i32
    %dma_wait3A_61 = arith.constant 0 : i32
    %dma_wait3A_62 = arith.constant 0 : i32
    %dma_wait3A_63 = tpu.memref_slice %arg6[%dma_wait3A_60, %dma_wait3A_61, %dma_wait3A_62] : memref<2x200x128xf32, #tpu.memory_space<vmem>> -> memref<1x100x128xf32, #tpu.memory_space<vmem>>
    %dma_wait3A_64 = tpu.memref_squeeze %dma_wait3A_63 : memref<1x100x128xf32, #tpu.memory_space<vmem>> -> memref<100x128xf32, #tpu.memory_space<vmem>>
    %dma_wait3A_65 = arith.constant 0 : i32
    %dma_wait3A_66 = tpu.memref_slice %arg5[%dma_wait3A, %dma_wait3A_59, %dma_wait3A_65] : memref<128x2x100xi32, #tpu.memory_space<vmem>> -> memref<1x1x100xi32, #tpu.memory_space<vmem>>
    %dma_wait3A_67 = tpu.memref_squeeze %dma_wait3A_66 : memref<1x1x100xi32, #tpu.memory_space<vmem>> -> memref<100xi32, #tpu.memory_space<vmem>>
    %dma_wait3A_68 = arith.constant 0 : i32
    %dma_wait3A_69 = arith.constant 0 : i32
    %dma_wait3A_70 = tpu.memref_slice %arg3[%dma_wait3A_68, %dma_wait3A_69] : memref<100000x128xf32, #tpu.memory_space<hbm>> -> memref<100000x128xf32, #tpu.memory_space<hbm>>
    tpu.wait_indirect_dma semaphore(%arg8 : memref<!tpu.dma_semaphore, #tpu.memory_space<semaphore_mem>>) src(%dma_wait3A_70 : memref<100000x128xf32, #tpu.memory_space<hbm>>) dst(%dma_wait3A_64 : memref<100x128xf32, #tpu.memory_space<vmem>>)
    %dma_wait3A_71 = arith.constant 126 : i32
    %dma_wait3A_72 = arith.constant 1 : i32
    %dma_wait3A_73 = arith.constant 0 : i32
    %dma_wait3A_74 = arith.constant 100 : i32
    %dma_wait3A_75 = arith.constant 0 : i32
    %dma_wait3A_76 = tpu.memref_slice %arg6[%dma_wait3A_73, %dma_wait3A_74, %dma_wait3A_75] : memref<2x200x128xf32, #tpu.memory_space<vmem>> -> memref<1x100x128xf32, #tpu.memory_space<vmem>>
    %dma_wait3A_77 = tpu.memref_squeeze %dma_wait3A_76 : memref<1x100x128xf32, #tpu.memory_space<vmem>> -> memref<100x128xf32, #tpu.memory_space<vmem>>
    %dma_wait3A_78 = arith.constant 0 : i32
    %dma_wait3A_79 = tpu.memref_slice %arg5[%dma_wait3A_71, %dma_wait3A_72, %dma_wait3A_78] : memref<128x2x100xi32, #tpu.memory_space<vmem>> -> memref<1x1x100xi32, #tpu.memory_space<vmem>>
    %dma_wait3A_80 = tpu.memref_squeeze %dma_wait3A_79 : memref<1x1x100xi32, #tpu.memory_space<vmem>> -> memref<100xi32, #tpu.memory_space<vmem>>
    %dma_wait3A_81 = arith.constant 0 : i32
    %dma_wait3A_82 = arith.constant 0 : i32
    %dma_wait3A_83 = tpu.memref_slice %arg3[%dma_wait3A_81, %dma_wait3A_82] : memref<100000x128xf32, #tpu.memory_space<hbm>> -> memref<100000x128xf32, #tpu.memory_space<hbm>>
    tpu.wait_indirect_dma semaphore(%arg8 : memref<!tpu.dma_semaphore, #tpu.memory_space<semaphore_mem>>) src(%dma_wait3A_83 : memref<100000x128xf32, #tpu.memory_space<hbm>>) dst(%dma_wait3A_77 : memref<100x128xf32, #tpu.memory_space<vmem>>)
    %broadcast_in_dim3A = arith.constant 0.000000e+00 : f32
    %broadcast_in_dim3A_84 = vector.broadcast %broadcast_in_dim3A : f32 to vector<16xf32>
    %scan3A_85 = arith.constant 0 : i32
    %scan3A_86 = arith.constant 25 : i32
    %scan3A_87 = arith.addi %scan3A_85, %scan3A_86 : i32
    %scan3A_88 = arith.constant 1 : i32
    %scan3A_89:4 = scf.for %scan3A_172 = %scan3A_85 to %scan3A_87 step %scan3A_88 iter_args(%scan3A_173 = %broadcast_in_dim3A_84, %scan3A_174 = %broadcast_in_dim3A_84, %scan3A_175 = %broadcast_in_dim3A_84, %scan3A_176 = %broadcast_in_dim3A_84) -> (vector<16xf32>, vector<16xf32>, vector<16xf32>, vector<16xf32>)  : i32 {
      %mul3A_177 = arith.constant 8 : i32
      %mul3A_178 = arith.muli %scan3A_172, %mul3A_177 : i32
      %add3A_179 = arith.constant 0 : i32
      %add3A_180 = arith.addi %mul3A_178, %add3A_179 : i32
      %get3A = arith.constant 0 : i32
      %get3A_181 = arith.index_cast %get3A : i32 to index
      %get3A_182 = arith.index_cast %add3A_180 : i32 to index
      %get3A_183 = arith.constant 0 : index
      %get3A_184 = tpu.vector_load %arg6[%get3A_181, %get3A_182, %get3A_183] {strides = array<i32>} : memref<2x200x128xf32, #tpu.memory_space<vmem>>, vector<1x1x16xf32>,
      %get3A_185 = vector.shape_cast %get3A_184 : vector<1x1x16xf32> to vector<16xf32>
      %add3A_186 = arith.addf %scan3A_173, %get3A_185 : vector<16xf32>
      %get3A_187 = arith.constant 0 : i32
      %get3A_188 = arith.index_cast %get3A_187 : i32 to index
      %get3A_189 = arith.index_cast %add3A_180 : i32 to index
      %get3A_190 = arith.constant 16 : index
      %get3A_191 = tpu.vector_load %arg6[%get3A_188, %get3A_189, %get3A_190] {strides = array<i32>} : memref<2x200x128xf32, #tpu.memory_space<vmem>>, vector<1x1x16xf32>,
      %get3A_192 = vector.shape_cast %get3A_191 : vector<1x1x16xf32> to vector<16xf32>
      %add3A_193 = arith.addf %scan3A_174, %get3A_192 : vector<16xf32>
      %get3A_194 = arith.constant 0 : i32
      %get3A_195 = arith.index_cast %get3A_194 : i32 to index
      %get3A_196 = arith.index_cast %add3A_180 : i32 to index
      %get3A_197 = arith.constant 32 : index
      %get3A_198 = tpu.vector_load %arg6[%get3A_195, %get3A_196, %get3A_197] {strides = array<i32>} : memref<2x200x128xf32, #tpu.memory_space<vmem>>, vector<1x1x16xf32>,
      %get3A_199 = vector.shape_cast %get3A_198 : vector<1x1x16xf32> to vector<16xf32>
      %add3A_200 = arith.addf %scan3A_175, %get3A_199 : vector<16xf32>
      %get3A_201 = arith.constant 0 : i32
      %get3A_202 = arith.index_cast %get3A_201 : i32 to index
      %get3A_203 = arith.index_cast %add3A_180 : i32 to index
      %get3A_204 = arith.constant 48 : index
      %get3A_205 = tpu.vector_load %arg6[%get3A_202, %get3A_203, %get3A_204] {strides = array<i32>} : memref<2x200x128xf32, #tpu.memory_space<vmem>>, vector<1x1x16xf32>,
      %get3A_206 = vector.shape_cast %get3A_205 : vector<1x1x16xf32> to vector<16xf32>
      %add3A_207 = arith.addf %scan3A_176, %get3A_206 : vector<16xf32>
      %mul3A_208 = arith.constant 8 : i32
      %mul3A_209 = arith.muli %scan3A_172, %mul3A_208 : i32
      %add3A_210 = arith.constant 1 : i32
      %add3A_211 = arith.addi %mul3A_209, %add3A_210 : i32
      %get3A_212 = arith.constant 0 : i32
      %get3A_213 = arith.index_cast %get3A_212 : i32 to index
      %get3A_214 = arith.index_cast %add3A_211 : i32 to index
      %get3A_215 = arith.constant 0 : index
      %get3A_216 = tpu.vector_load %arg6[%get3A_213, %get3A_214, %get3A_215] {strides = array<i32>} : memref<2x200x128xf32, #tpu.memory_space<vmem>>, vector<1x1x16xf32>,
      %get3A_217 = vector.shape_cast %get3A_216 : vector<1x1x16xf32> to vector<16xf32>
      %add3A_218 = arith.addf %add3A_186, %get3A_217 : vector<16xf32>
      %get3A_219 = arith.constant 0 : i32
      %get3A_220 = arith.index_cast %get3A_219 : i32 to index
      %get3A_221 = arith.index_cast %add3A_211 : i32 to index
      %get3A_222 = arith.constant 16 : index
      %get3A_223 = tpu.vector_load %arg6[%get3A_220, %get3A_221, %get3A_222] {strides = array<i32>} : memref<2x200x128xf32, #tpu.memory_space<vmem>>, vector<1x1x16xf32>,
      %get3A_224 = vector.shape_cast %get3A_223 : vector<1x1x16xf32> to vector<16xf32>
      %add3A_225 = arith.addf %add3A_193, %get3A_224 : vector<16xf32>
      %get3A_226 = arith.constant 0 : i32
      %get3A_227 = arith.index_cast %get3A_226 : i32 to index
      %get3A_228 = arith.index_cast %add3A_211 : i32 to index
      %get3A_229 = arith.constant 32 : index
      %get3A_230 = tpu.vector_load %arg6[%get3A_227, %get3A_228, %get3A_229] {strides = array<i32>} : memref<2x200x128xf32, #tpu.memory_space<vmem>>, vector<1x1x16xf32>,
      %get3A_231 = vector.shape_cast %get3A_230 : vector<1x1x16xf32> to vector<16xf32>
      %add3A_232 = arith.addf %add3A_200, %get3A_231 : vector<16xf32>
      %get3A_233 = arith.constant 0 : i32
      %get3A_234 = arith.index_cast %get3A_233 : i32 to index
      %get3A_235 = arith.index_cast %add3A_211 : i32 to index
      %get3A_236 = arith.constant 48 : index
      %get3A_237 = tpu.vector_load %arg6[%get3A_234, %get3A_235, %get3A_236] {strides = array<i32>} : memref<2x200x128xf32, #tpu.memory_space<vmem>>, vector<1x1x16xf32>,
      %get3A_238 = vector.shape_cast %get3A_237 : vector<1x1x16xf32> to vector<16xf32>
      %add3A_239 = arith.addf %add3A_207, %get3A_238 : vector<16xf32>
      %mul3A_240 = arith.constant 8 : i32
      %mul3A_241 = arith.muli %scan3A_172, %mul3A_240 : i32
      %add3A_242 = arith.constant 2 : i32
      %add3A_243 = arith.addi %mul3A_241, %add3A_242 : i32
      %get3A_244 = arith.constant 0 : i32
      %get3A_245 = arith.index_cast %get3A_244 : i32 to index
      %get3A_246 = arith.index_cast %add3A_243 : i32 to index
      %get3A_247 = arith.constant 0 : index
      %get3A_248 = tpu.vector_load %arg6[%get3A_245, %get3A_246, %get3A_247] {strides = array<i32>} : memref<2x200x128xf32, #tpu.memory_space<vmem>>, vector<1x1x16xf32>,
      %get3A_249 = vector.shape_cast %get3A_248 : vector<1x1x16xf32> to vector<16xf32>
      %add3A_250 = arith.addf %add3A_218, %get3A_249 : vector<16xf32>
      %get3A_251 = arith.constant 0 : i32
      %get3A_252 = arith.index_cast %get3A_251 : i32 to index
      %get3A_253 = arith.index_cast %add3A_243 : i32 to index
      %get3A_254 = arith.constant 16 : index
      %get3A_255 = tpu.vector_load %arg6[%get3A_252, %get3A_253, %get3A_254] {strides = array<i32>} : memref<2x200x128xf32, #tpu.memory_space<vmem>>, vector<1x1x16xf32>,
      %get3A_256 = vector.shape_cast %get3A_255 : vector<1x1x16xf32> to vector<16xf32>
      %add3A_257 = arith.addf %add3A_225, %get3A_256 : vector<16xf32>
      %get3A_258 = arith.constant 0 : i32
      %get3A_259 = arith.index_cast %get3A_258 : i32 to index
      %get3A_260 = arith.index_cast %add3A_243 : i32 to index
      %get3A_261 = arith.constant 32 : index
      %get3A_262 = tpu.vector_load %arg6[%get3A_259, %get3A_260, %get3A_261] {strides = array<i32>} : memref<2x200x128xf32, #tpu.memory_space<vmem>>, vector<1x1x16xf32>,
      %get3A_263 = vector.shape_cast %get3A_262 : vector<1x1x16xf32> to vector<16xf32>
      %add3A_264 = arith.addf %add3A_232, %get3A_263 : vector<16xf32>
      %get3A_265 = arith.constant 0 : i32
      %get3A_266 = arith.index_cast %get3A_265 : i32 to index
      %get3A_267 = arith.index_cast %add3A_243 : i32 to index
      %get3A_268 = arith.constant 48 : index
      %get3A_269 = tpu.vector_load %arg6[%get3A_266, %get3A_267, %get3A_268] {strides = array<i32>} : memref<2x200x128xf32, #tpu.memory_space<vmem>>, vector<1x1x16xf32>,
      %get3A_270 = vector.shape_cast %get3A_269 : vector<1x1x16xf32> to vector<16xf32>
      %add3A_271 = arith.addf %add3A_239, %get3A_270 : vector<16xf32>
      %mul3A_272 = arith.constant 8 : i32
      %mul3A_273 = arith.muli %scan3A_172, %mul3A_272 : i32
      %add3A_274 = arith.constant 3 : i32
      %add3A_275 = arith.addi %mul3A_273, %add3A_274 : i32
      %get3A_276 = arith.constant 0 : i32
      %get3A_277 = arith.index_cast %get3A_276 : i32 to index
      %get3A_278 = arith.index_cast %add3A_275 : i32 to index
      %get3A_279 = arith.constant 0 : index
      %get3A_280 = tpu.vector_load %arg6[%get3A_277, %get3A_278, %get3A_279] {strides = array<i32>} : memref<2x200x128xf32, #tpu.memory_space<vmem>>, vector<1x1x16xf32>,
      %get3A_281 = vector.shape_cast %get3A_280 : vector<1x1x16xf32> to vector<16xf32>
      %add3A_282 = arith.addf %add3A_250, %get3A_281 : vector<16xf32>
      %get3A_283 = arith.constant 0 : i32
      %get3A_284 = arith.index_cast %get3A_283 : i32 to index
      %get3A_285 = arith.index_cast %add3A_275 : i32 to index
      %get3A_286 = arith.constant 16 : index
      %get3A_287 = tpu.vector_load %arg6[%get3A_284, %get3A_285, %get3A_286] {strides = array<i32>} : memref<2x200x128xf32, #tpu.memory_space<vmem>>, vector<1x1x16xf32>,
      %get3A_288 = vector.shape_cast %get3A_287 : vector<1x1x16xf32> to vector<16xf32>
      %add3A_289 = arith.addf %add3A_257, %get3A_288 : vector<16xf32>
      %get3A_290 = arith.constant 0 : i32
      %get3A_291 = arith.index_cast %get3A_290 : i32 to index
      %get3A_292 = arith.index_cast %add3A_275 : i32 to index
      %get3A_293 = arith.constant 32 : index
      %get3A_294 = tpu.vector_load %arg6[%get3A_291, %get3A_292, %get3A_293] {strides = array<i32>} : memref<2x200x128xf32, #tpu.memory_space<vmem>>, vector<1x1x16xf32>,
      %get3A_295 = vector.shape_cast %get3A_294 : vector<1x1x16xf32> to vector<16xf32>
      %add3A_296 = arith.addf %add3A_264, %get3A_295 : vector<16xf32>
      %get3A_297 = arith.constant 0 : i32
      %get3A_298 = arith.index_cast %get3A_297 : i32 to index
      %get3A_299 = arith.index_cast %add3A_275 : i32 to index
      %get3A_300 = arith.constant 48 : index
      %get3A_301 = tpu.vector_load %arg6[%get3A_298, %get3A_299, %get3A_300] {strides = array<i32>} : memref<2x200x128xf32, #tpu.memory_space<vmem>>, vector<1x1x16xf32>,
      %get3A_302 = vector.shape_cast %get3A_301 : vector<1x1x16xf32> to vector<16xf32>
      %add3A_303 = arith.addf %add3A_271, %get3A_302 : vector<16xf32>
      %mul3A_304 = arith.constant 8 : i32
      %mul3A_305 = arith.muli %scan3A_172, %mul3A_304 : i32
      %add3A_306 = arith.constant 4 : i32
      %add3A_307 = arith.addi %mul3A_305, %add3A_306 : i32
      %get3A_308 = arith.constant 0 : i32
      %get3A_309 = arith.index_cast %get3A_308 : i32 to index
      %get3A_310 = arith.index_cast %add3A_307 : i32 to index
      %get3A_311 = arith.constant 0 : index
      %get3A_312 = tpu.vector_load %arg6[%get3A_309, %get3A_310, %get3A_311] {strides = array<i32>} : memref<2x200x128xf32, #tpu.memory_space<vmem>>, vector<1x1x16xf32>,
      %get3A_313 = vector.shape_cast %get3A_312 : vector<1x1x16xf32> to vector<16xf32>
      %add3A_314 = arith.addf %add3A_282, %get3A_313 : vector<16xf32>
      %get3A_315 = arith.constant 0 : i32
      %get3A_316 = arith.index_cast %get3A_315 : i32 to index
      %get3A_317 = arith.index_cast %add3A_307 : i32 to index
      %get3A_318 = arith.constant 16 : index
      %get3A_319 = tpu.vector_load %arg6[%get3A_316, %get3A_317, %get3A_318] {strides = array<i32>} : memref<2x200x128xf32, #tpu.memory_space<vmem>>, vector<1x1x16xf32>,
      %get3A_320 = vector.shape_cast %get3A_319 : vector<1x1x16xf32> to vector<16xf32>
      %add3A_321 = arith.addf %add3A_289, %get3A_320 : vector<16xf32>
      %get3A_322 = arith.constant 0 : i32
      %get3A_323 = arith.index_cast %get3A_322 : i32 to index
      %get3A_324 = arith.index_cast %add3A_307 : i32 to index
      %get3A_325 = arith.constant 32 : index
      %get3A_326 = tpu.vector_load %arg6[%get3A_323, %get3A_324, %get3A_325] {strides = array<i32>} : memref<2x200x128xf32, #tpu.memory_space<vmem>>, vector<1x1x16xf32>,
      %get3A_327 = vector.shape_cast %get3A_326 : vector<1x1x16xf32> to vector<16xf32>
      %add3A_328 = arith.addf %add3A_296, %get3A_327 : vector<16xf32>
      %get3A_329 = arith.constant 0 : i32
      %get3A_330 = arith.index_cast %get3A_329 : i32 to index
      %get3A_331 = arith.index_cast %add3A_307 : i32 to index
      %get3A_332 = arith.constant 48 : index
      %get3A_333 = tpu.vector_load %arg6[%get3A_330, %get3A_331, %get3A_332] {strides = array<i32>} : memref<2x200x128xf32, #tpu.memory_space<vmem>>, vector<1x1x16xf32>,
      %get3A_334 = vector.shape_cast %get3A_333 : vector<1x1x16xf32> to vector<16xf32>
      %add3A_335 = arith.addf %add3A_303, %get3A_334 : vector<16xf32>
      %mul3A_336 = arith.constant 8 : i32
      %mul3A_337 = arith.muli %scan3A_172, %mul3A_336 : i32
      %add3A_338 = arith.constant 5 : i32
      %add3A_339 = arith.addi %mul3A_337, %add3A_338 : i32
      %get3A_340 = arith.constant 0 : i32
      %get3A_341 = arith.index_cast %get3A_340 : i32 to index
      %get3A_342 = arith.index_cast %add3A_339 : i32 to index
      %get3A_343 = arith.constant 0 : index
      %get3A_344 = tpu.vector_load %arg6[%get3A_341, %get3A_342, %get3A_343] {strides = array<i32>} : memref<2x200x128xf32, #tpu.memory_space<vmem>>, vector<1x1x16xf32>,
      %get3A_345 = vector.shape_cast %get3A_344 : vector<1x1x16xf32> to vector<16xf32>
      %add3A_346 = arith.addf %add3A_314, %get3A_345 : vector<16xf32>
      %get3A_347 = arith.constant 0 : i32
      %get3A_348 = arith.index_cast %get3A_347 : i32 to index
      %get3A_349 = arith.index_cast %add3A_339 : i32 to index
      %get3A_350 = arith.constant 16 : index
      %get3A_351 = tpu.vector_load %arg6[%get3A_348, %get3A_349, %get3A_350] {strides = array<i32>} : memref<2x200x128xf32, #tpu.memory_space<vmem>>, vector<1x1x16xf32>,
      %get3A_352 = vector.shape_cast %get3A_351 : vector<1x1x16xf32> to vector<16xf32>
      %add3A_353 = arith.addf %add3A_321, %get3A_352 : vector<16xf32>
      %get3A_354 = arith.constant 0 : i32
      %get3A_355 = arith.index_cast %get3A_354 : i32 to index
      %get3A_356 = arith.index_cast %add3A_339 : i32 to index
      %get3A_357 = arith.constant 32 : index
      %get3A_358 = tpu.vector_load %arg6[%get3A_355, %get3A_356, %get3A_357] {strides = array<i32>} : memref<2x200x128xf32, #tpu.memory_space<vmem>>, vector<1x1x16xf32>,
      %get3A_359 = vector.shape_cast %get3A_358 : vector<1x1x16xf32> to vector<16xf32>
      %add3A_360 = arith.addf %add3A_328, %get3A_359 : vector<16xf32>
      %get3A_361 = arith.constant 0 : i32
      %get3A_362 = arith.index_cast %get3A_361 : i32 to index
      %get3A_363 = arith.index_cast %add3A_339 : i32 to index
      %get3A_364 = arith.constant 48 : index
      %get3A_365 = tpu.vector_load %arg6[%get3A_362, %get3A_363, %get3A_364] {strides = array<i32>} : memref<2x200x128xf32, #tpu.memory_space<vmem>>, vector<1x1x16xf32>,
      %get3A_366 = vector.shape_cast %get3A_365 : vector<1x1x16xf32> to vector<16xf32>
      %add3A_367 = arith.addf %add3A_335, %get3A_366 : vector<16xf32>
      %mul3A_368 = arith.constant 8 : i32
      %mul3A_369 = arith.muli %scan3A_172, %mul3A_368 : i32
      %add3A_370 = arith.constant 6 : i32
      %add3A_371 = arith.addi %mul3A_369, %add3A_370 : i32
      %get3A_372 = arith.constant 0 : i32
      %get3A_373 = arith.index_cast %get3A_372 : i32 to index
      %get3A_374 = arith.index_cast %add3A_371 : i32 to index
      %get3A_375 = arith.constant 0 : index
      %get3A_376 = tpu.vector_load %arg6[%get3A_373, %get3A_374, %get3A_375] {strides = array<i32>} : memref<2x200x128xf32, #tpu.memory_space<vmem>>, vector<1x1x16xf32>,
      %get3A_377 = vector.shape_cast %get3A_376 : vector<1x1x16xf32> to vector<16xf32>
      %add3A_378 = arith.addf %add3A_346, %get3A_377 : vector<16xf32>
      %get3A_379 = arith.constant 0 : i32
      %get3A_380 = arith.index_cast %get3A_379 : i32 to index
      %get3A_381 = arith.index_cast %add3A_371 : i32 to index
      %get3A_382 = arith.constant 16 : index
      %get3A_383 = tpu.vector_load %arg6[%get3A_380, %get3A_381, %get3A_382] {strides = array<i32>} : memref<2x200x128xf32, #tpu.memory_space<vmem>>, vector<1x1x16xf32>,
      %get3A_384 = vector.shape_cast %get3A_383 : vector<1x1x16xf32> to vector<16xf32>
      %add3A_385 = arith.addf %add3A_353, %get3A_384 : vector<16xf32>
      %get3A_386 = arith.constant 0 : i32
      %get3A_387 = arith.index_cast %get3A_386 : i32 to index
      %get3A_388 = arith.index_cast %add3A_371 : i32 to index
      %get3A_389 = arith.constant 32 : index
      %get3A_390 = tpu.vector_load %arg6[%get3A_387, %get3A_388, %get3A_389] {strides = array<i32>} : memref<2x200x128xf32, #tpu.memory_space<vmem>>, vector<1x1x16xf32>,
      %get3A_391 = vector.shape_cast %get3A_390 : vector<1x1x16xf32> to vector<16xf32>
      %add3A_392 = arith.addf %add3A_360, %get3A_391 : vector<16xf32>
      %get3A_393 = arith.constant 0 : i32
      %get3A_394 = arith.index_cast %get3A_393 : i32 to index
      %get3A_395 = arith.index_cast %add3A_371 : i32 to index
      %get3A_396 = arith.constant 48 : index
      %get3A_397 = tpu.vector_load %arg6[%get3A_394, %get3A_395, %get3A_396] {strides = array<i32>} : memref<2x200x128xf32, #tpu.memory_space<vmem>>, vector<1x1x16xf32>,
      %get3A_398 = vector.shape_cast %get3A_397 : vector<1x1x16xf32> to vector<16xf32>
      %add3A_399 = arith.addf %add3A_367, %get3A_398 : vector<16xf32>
      %mul3A_400 = arith.constant 8 : i32
      %mul3A_401 = arith.muli %scan3A_172, %mul3A_400 : i32
      %add3A_402 = arith.constant 7 : i32
      %add3A_403 = arith.addi %mul3A_401, %add3A_402 : i32
      %get3A_404 = arith.constant 0 : i32
      %get3A_405 = arith.index_cast %get3A_404 : i32 to index
      %get3A_406 = arith.index_cast %add3A_403 : i32 to index
      %get3A_407 = arith.constant 0 : index
      %get3A_408 = tpu.vector_load %arg6[%get3A_405, %get3A_406, %get3A_407] {strides = array<i32>} : memref<2x200x128xf32, #tpu.memory_space<vmem>>, vector<1x1x16xf32>,
      %get3A_409 = vector.shape_cast %get3A_408 : vector<1x1x16xf32> to vector<16xf32>
      %add3A_410 = arith.addf %add3A_378, %get3A_409 : vector<16xf32>
      %get3A_411 = arith.constant 0 : i32
      %get3A_412 = arith.index_cast %get3A_411 : i32 to index
      %get3A_413 = arith.index_cast %add3A_403 : i32 to index
      %get3A_414 = arith.constant 16 : index
      %get3A_415 = tpu.vector_load %arg6[%get3A_412, %get3A_413, %get3A_414] {strides = array<i32>} : memref<2x200x128xf32, #tpu.memory_space<vmem>>, vector<1x1x16xf32>,
      %get3A_416 = vector.shape_cast %get3A_415 : vector<1x1x16xf32> to vector<16xf32>
      %add3A_417 = arith.addf %add3A_385, %get3A_416 : vector<16xf32>
      %get3A_418 = arith.constant 0 : i32
      %get3A_419 = arith.index_cast %get3A_418 : i32 to index
      %get3A_420 = arith.index_cast %add3A_403 : i32 to index
      %get3A_421 = arith.constant 32 : index
      %get3A_422 = tpu.vector_load %arg6[%get3A_419, %get3A_420, %get3A_421] {strides = array<i32>} : memref<2x200x128xf32, #tpu.memory_space<vmem>>, vector<1x1x16xf32>,
      %get3A_423 = vector.shape_cast %get3A_422 : vector<1x1x16xf32> to vector<16xf32>
      %add3A_424 = arith.addf %add3A_392, %get3A_423 : vector<16xf32>
      %get3A_425 = arith.constant 0 : i32
      %get3A_426 = arith.index_cast %get3A_425 : i32 to index
      %get3A_427 = arith.index_cast %add3A_403 : i32 to index
      %get3A_428 = arith.constant 48 : index
      %get3A_429 = tpu.vector_load %arg6[%get3A_426, %get3A_427, %get3A_428] {strides = array<i32>} : memref<2x200x128xf32, #tpu.memory_space<vmem>>, vector<1x1x16xf32>,
      %get3A_430 = vector.shape_cast %get3A_429 : vector<1x1x16xf32> to vector<16xf32>
      %add3A_431 = arith.addf %add3A_399, %get3A_430 : vector<16xf32>
      scf.yield %add3A_410, %add3A_417, %add3A_424, %add3A_431 : vector<16xf32>, vector<16xf32>, vector<16xf32>, vector<16xf32>
    }
    %scan3A_90 = arith.constant 25 : i32
    %swap3A = arith.constant 126 : i32
    %swap3A_91 = arith.index_cast %swap3A : i32 to index
    %swap3A_92 = arith.constant 0 : index
    %swap3A_93 = tpu.vector_load %arg7[%swap3A_91, %swap3A_92] {strides = array<i32>} : memref<128x64xf32, #tpu.memory_space<vmem>>, vector<1x16xf32>,
    %swap3A_94 = vector.shape_cast %swap3A_93 : vector<1x16xf32> to vector<16xf32>
    %swap3A_95 = vector.shape_cast %scan3A_89#0 : vector<16xf32> to vector<1x16xf32>
    tpu.vector_store %arg7[%swap3A_91, %swap3A_92], %swap3A_95 {strides = array<i32>} : memref<128x64xf32, #tpu.memory_space<vmem>>, vector<1x16xf32>,
    %swap3A_96 = arith.constant 126 : i32
    %swap3A_97 = arith.index_cast %swap3A_96 : i32 to index
    %swap3A_98 = arith.constant 16 : index
    %swap3A_99 = tpu.vector_load %arg7[%swap3A_97, %swap3A_98] {strides = array<i32>} : memref<128x64xf32, #tpu.memory_space<vmem>>, vector<1x16xf32>,
    %swap3A_100 = vector.shape_cast %swap3A_99 : vector<1x16xf32> to vector<16xf32>
    %swap3A_101 = vector.shape_cast %scan3A_89#1 : vector<16xf32> to vector<1x16xf32>
    tpu.vector_store %arg7[%swap3A_97, %swap3A_98], %swap3A_101 {strides = array<i32>} : memref<128x64xf32, #tpu.memory_space<vmem>>, vector<1x16xf32>,
    %swap3A_102 = arith.constant 126 : i32
    %swap3A_103 = arith.index_cast %swap3A_102 : i32 to index
    %swap3A_104 = arith.constant 32 : index
    %swap3A_105 = tpu.vector_load %arg7[%swap3A_103, %swap3A_104] {strides = array<i32>} : memref<128x64xf32, #tpu.memory_space<vmem>>, vector<1x16xf32>,
    %swap3A_106 = vector.shape_cast %swap3A_105 : vector<1x16xf32> to vector<16xf32>
    %swap3A_107 = vector.shape_cast %scan3A_89#2 : vector<16xf32> to vector<1x16xf32>
    tpu.vector_store %arg7[%swap3A_103, %swap3A_104], %swap3A_107 {strides = array<i32>} : memref<128x64xf32, #tpu.memory_space<vmem>>, vector<1x16xf32>,
    %swap3A_108 = arith.constant 126 : i32
    %swap3A_109 = arith.index_cast %swap3A_108 : i32 to index
    %swap3A_110 = arith.constant 48 : index
    %swap3A_111 = tpu.vector_load %arg7[%swap3A_109, %swap3A_110] {strides = array<i32>} : memref<128x64xf32, #tpu.memory_space<vmem>>, vector<1x16xf32>,
    %swap3A_112 = vector.shape_cast %swap3A_111 : vector<1x16xf32> to vector<16xf32>
    %swap3A_113 = vector.shape_cast %scan3A_89#3 : vector<16xf32> to vector<1x16xf32>
    tpu.vector_store %arg7[%swap3A_109, %swap3A_110], %swap3A_113 {strides = array<i32>} : memref<128x64xf32, #tpu.memory_space<vmem>>, vector<1x16xf32>,
    %dma_wait3A_114 = arith.constant 127 : i32
    %dma_wait3A_115 = arith.constant 0 : i32
    %dma_wait3A_116 = arith.constant 1 : i32
    %dma_wait3A_117 = arith.constant 0 : i32
    %dma_wait3A_118 = arith.constant 0 : i32
    %dma_wait3A_119 = tpu.memref_slice %arg6[%dma_wait3A_116, %dma_wait3A_117, %dma_wait3A_118] : memref<2x200x128xf32, #tpu.memory_space<vmem>> -> memref<1x100x128xf32, #tpu.memory_space<vmem>>
    %dma_wait3A_120 = tpu.memref_squeeze %dma_wait3A_119 : memref<1x100x128xf32, #tpu.memory_space<vmem>> -> memref<100x128xf32, #tpu.memory_space<vmem>>
    %dma_wait3A_121 = arith.constant 0 : i32
    %dma_wait3A_122 = tpu.memref_slice %arg5[%dma_wait3A_114, %dma_wait3A_115, %dma_wait3A_121] : memref<128x2x100xi32, #tpu.memory_space<vmem>> -> memref<1x1x100xi32, #tpu.memory_space<vmem>>
    %dma_wait3A_123 = tpu.memref_squeeze %dma_wait3A_122 : memref<1x1x100xi32, #tpu.memory_space<vmem>> -> memref<100xi32, #tpu.memory_space<vmem>>
    %dma_wait3A_124 = arith.constant 0 : i32
    %dma_wait3A_125 = arith.constant 0 : i32
    %dma_wait3A_126 = tpu.memref_slice %arg3[%dma_wait3A_124, %dma_wait3A_125] : memref<100000x128xf32, #tpu.memory_space<hbm>> -> memref<100000x128xf32, #tpu.memory_space<hbm>>
    tpu.wait_indirect_dma semaphore(%arg9 : memref<!tpu.dma_semaphore, #tpu.memory_space<semaphore_mem>>) src(%dma_wait3A_126 : memref<100000x128xf32, #tpu.memory_space<hbm>>) dst(%dma_wait3A_120 : memref<100x128xf32, #tpu.memory_space<vmem>>)
    %dma_wait3A_127 = arith.constant 127 : i32
    %dma_wait3A_128 = arith.constant 1 : i32
    %dma_wait3A_129 = arith.constant 1 : i32
    %dma_wait3A_130 = arith.constant 100 : i32
    %dma_wait3A_131 = arith.constant 0 : i32
    %dma_wait3A_132 = tpu.memref_slice %arg6[%dma_wait3A_129, %dma_wait3A_130, %dma_wait3A_131] : memref<2x200x128xf32, #tpu.memory_space<vmem>> -> memref<1x100x128xf32, #tpu.memory_space<vmem>>
    %dma_wait3A_133 = tpu.memref_squeeze %dma_wait3A_132 : memref<1x100x128xf32, #tpu.memory_space<vmem>> -> memref<100x128xf32, #tpu.memory_space<vmem>>
    %dma_wait3A_134 = arith.constant 0 : i32
    %dma_wait3A_135 = tpu.memref_slice %arg5[%dma_wait3A_127, %dma_wait3A_128, %dma_wait3A_134] : memref<128x2x100xi32, #tpu.memory_space<vmem>> -> memref<1x1x100xi32, #tpu.memory_space<vmem>>
    %dma_wait3A_136 = tpu.memref_squeeze %dma_wait3A_135 : memref<1x1x100xi32, #tpu.memory_space<vmem>> -> memref<100xi32, #tpu.memory_space<vmem>>
    %dma_wait3A_137 = arith.constant 0 : i32
    %dma_wait3A_138 = arith.constant 0 : i32
    %dma_wait3A_139 = tpu.memref_slice %arg3[%dma_wait3A_137, %dma_wait3A_138] : memref<100000x128xf32, #tpu.memory_space<hbm>> -> memref<100000x128xf32, #tpu.memory_space<hbm>>
    tpu.wait_indirect_dma semaphore(%arg9 : memref<!tpu.dma_semaphore, #tpu.memory_space<semaphore_mem>>) src(%dma_wait3A_139 : memref<100000x128xf32, #tpu.memory_space<hbm>>) dst(%dma_wait3A_133 : memref<100x128xf32, #tpu.memory_space<vmem>>)
    %broadcast_in_dim3A_140 = arith.constant 0.000000e+00 : f32
    %broadcast_in_dim3A_141 = vector.broadcast %broadcast_in_dim3A_140 : f32 to vector<16xf32>
    %scan3A_142 = arith.constant 0 : i32
    %scan3A_143 = arith.constant 25 : i32
    %scan3A_144 = arith.addi %scan3A_142, %scan3A_143 : i32
    %scan3A_145 = arith.constant 1 : i32
    %scan3A_146:4 = scf.for %scan3A_172 = %scan3A_142 to %scan3A_144 step %scan3A_145 iter_args(%scan3A_173 = %broadcast_in_dim3A_141, %scan3A_174 = %broadcast_in_dim3A_141, %scan3A_175 = %broadcast_in_dim3A_141, %scan3A_176 = %broadcast_in_dim3A_141) -> (vector<16xf32>, vector<16xf32>, vector<16xf32>, vector<16xf32>)  : i32 {
      %mul3A_177 = arith.constant 8 : i32
      %mul3A_178 = arith.muli %scan3A_172, %mul3A_177 : i32
      %add3A_179 = arith.constant 0 : i32
      %add3A_180 = arith.addi %mul3A_178, %add3A_179 : i32
      %get3A = arith.constant 1 : i32
      %get3A_181 = arith.index_cast %get3A : i32 to index
      %get3A_182 = arith.index_cast %add3A_180 : i32 to index
      %get3A_183 = arith.constant 0 : index
      %get3A_184 = tpu.vector_load %arg6[%get3A_181, %get3A_182, %get3A_183] {strides = array<i32>} : memref<2x200x128xf32, #tpu.memory_space<vmem>>, vector<1x1x16xf32>,
      %get3A_185 = vector.shape_cast %get3A_184 : vector<1x1x16xf32> to vector<16xf32>
      %add3A_186 = arith.addf %scan3A_173, %get3A_185 : vector<16xf32>
      %get3A_187 = arith.constant 1 : i32
      %get3A_188 = arith.index_cast %get3A_187 : i32 to index
      %get3A_189 = arith.index_cast %add3A_180 : i32 to index
      %get3A_190 = arith.constant 16 : index
      %get3A_191 = tpu.vector_load %arg6[%get3A_188, %get3A_189, %get3A_190] {strides = array<i32>} : memref<2x200x128xf32, #tpu.memory_space<vmem>>, vector<1x1x16xf32>,
      %get3A_192 = vector.shape_cast %get3A_191 : vector<1x1x16xf32> to vector<16xf32>
      %add3A_193 = arith.addf %scan3A_174, %get3A_192 : vector<16xf32>
      %get3A_194 = arith.constant 1 : i32
      %get3A_195 = arith.index_cast %get3A_194 : i32 to index
      %get3A_196 = arith.index_cast %add3A_180 : i32 to index
      %get3A_197 = arith.constant 32 : index
      %get3A_198 = tpu.vector_load %arg6[%get3A_195, %get3A_196, %get3A_197] {strides = array<i32>} : memref<2x200x128xf32, #tpu.memory_space<vmem>>, vector<1x1x16xf32>,
      %get3A_199 = vector.shape_cast %get3A_198 : vector<1x1x16xf32> to vector<16xf32>
      %add3A_200 = arith.addf %scan3A_175, %get3A_199 : vector<16xf32>
      %get3A_201 = arith.constant 1 : i32
      %get3A_202 = arith.index_cast %get3A_201 : i32 to index
      %get3A_203 = arith.index_cast %add3A_180 : i32 to index
      %get3A_204 = arith.constant 48 : index
      %get3A_205 = tpu.vector_load %arg6[%get3A_202, %get3A_203, %get3A_204] {strides = array<i32>} : memref<2x200x128xf32, #tpu.memory_space<vmem>>, vector<1x1x16xf32>,
      %get3A_206 = vector.shape_cast %get3A_205 : vector<1x1x16xf32> to vector<16xf32>
      %add3A_207 = arith.addf %scan3A_176, %get3A_206 : vector<16xf32>
      %mul3A_208 = arith.constant 8 : i32
      %mul3A_209 = arith.muli %scan3A_172, %mul3A_208 : i32
      %add3A_210 = arith.constant 1 : i32
      %add3A_211 = arith.addi %mul3A_209, %add3A_210 : i32
      %get3A_212 = arith.constant 1 : i32
      %get3A_213 = arith.index_cast %get3A_212 : i32 to index
      %get3A_214 = arith.index_cast %add3A_211 : i32 to index
      %get3A_215 = arith.constant 0 : index
      %get3A_216 = tpu.vector_load %arg6[%get3A_213, %get3A_214, %get3A_215] {strides = array<i32>} : memref<2x200x128xf32, #tpu.memory_space<vmem>>, vector<1x1x16xf32>,
      %get3A_217 = vector.shape_cast %get3A_216 : vector<1x1x16xf32> to vector<16xf32>
      %add3A_218 = arith.addf %add3A_186, %get3A_217 : vector<16xf32>
      %get3A_219 = arith.constant 1 : i32
      %get3A_220 = arith.index_cast %get3A_219 : i32 to index
      %get3A_221 = arith.index_cast %add3A_211 : i32 to index
      %get3A_222 = arith.constant 16 : index
      %get3A_223 = tpu.vector_load %arg6[%get3A_220, %get3A_221, %get3A_222] {strides = array<i32>} : memref<2x200x128xf32, #tpu.memory_space<vmem>>, vector<1x1x16xf32>,
      %get3A_224 = vector.shape_cast %get3A_223 : vector<1x1x16xf32> to vector<16xf32>
      %add3A_225 = arith.addf %add3A_193, %get3A_224 : vector<16xf32>
      %get3A_226 = arith.constant 1 : i32
      %get3A_227 = arith.index_cast %get3A_226 : i32 to index
      %get3A_228 = arith.index_cast %add3A_211 : i32 to index
      %get3A_229 = arith.constant 32 : index
      %get3A_230 = tpu.vector_load %arg6[%get3A_227, %get3A_228, %get3A_229] {strides = array<i32>} : memref<2x200x128xf32, #tpu.memory_space<vmem>>, vector<1x1x16xf32>,
      %get3A_231 = vector.shape_cast %get3A_230 : vector<1x1x16xf32> to vector<16xf32>
      %add3A_232 = arith.addf %add3A_200, %get3A_231 : vector<16xf32>
      %get3A_233 = arith.constant 1 : i32
      %get3A_234 = arith.index_cast %get3A_233 : i32 to index
      %get3A_235 = arith.index_cast %add3A_211 : i32 to index
      %get3A_236 = arith.constant 48 : index
      %get3A_237 = tpu.vector_load %arg6[%get3A_234, %get3A_235, %get3A_236] {strides = array<i32>} : memref<2x200x128xf32, #tpu.memory_space<vmem>>, vector<1x1x16xf32>,
      %get3A_238 = vector.shape_cast %get3A_237 : vector<1x1x16xf32> to vector<16xf32>
      %add3A_239 = arith.addf %add3A_207, %get3A_238 : vector<16xf32>
      %mul3A_240 = arith.constant 8 : i32
      %mul3A_241 = arith.muli %scan3A_172, %mul3A_240 : i32
      %add3A_242 = arith.constant 2 : i32
      %add3A_243 = arith.addi %mul3A_241, %add3A_242 : i32
      %get3A_244 = arith.constant 1 : i32
      %get3A_245 = arith.index_cast %get3A_244 : i32 to index
      %get3A_246 = arith.index_cast %add3A_243 : i32 to index
      %get3A_247 = arith.constant 0 : index
      %get3A_248 = tpu.vector_load %arg6[%get3A_245, %get3A_246, %get3A_247] {strides = array<i32>} : memref<2x200x128xf32, #tpu.memory_space<vmem>>, vector<1x1x16xf32>,
      %get3A_249 = vector.shape_cast %get3A_248 : vector<1x1x16xf32> to vector<16xf32>
      %add3A_250 = arith.addf %add3A_218, %get3A_249 : vector<16xf32>
      %get3A_251 = arith.constant 1 : i32
      %get3A_252 = arith.index_cast %get3A_251 : i32 to index
      %get3A_253 = arith.index_cast %add3A_243 : i32 to index
      %get3A_254 = arith.constant 16 : index
      %get3A_255 = tpu.vector_load %arg6[%get3A_252, %get3A_253, %get3A_254] {strides = array<i32>} : memref<2x200x128xf32, #tpu.memory_space<vmem>>, vector<1x1x16xf32>,
      %get3A_256 = vector.shape_cast %get3A_255 : vector<1x1x16xf32> to vector<16xf32>
      %add3A_257 = arith.addf %add3A_225, %get3A_256 : vector<16xf32>
      %get3A_258 = arith.constant 1 : i32
      %get3A_259 = arith.index_cast %get3A_258 : i32 to index
      %get3A_260 = arith.index_cast %add3A_243 : i32 to index
      %get3A_261 = arith.constant 32 : index
      %get3A_262 = tpu.vector_load %arg6[%get3A_259, %get3A_260, %get3A_261] {strides = array<i32>} : memref<2x200x128xf32, #tpu.memory_space<vmem>>, vector<1x1x16xf32>,
      %get3A_263 = vector.shape_cast %get3A_262 : vector<1x1x16xf32> to vector<16xf32>
      %add3A_264 = arith.addf %add3A_232, %get3A_263 : vector<16xf32>
      %get3A_265 = arith.constant 1 : i32
      %get3A_266 = arith.index_cast %get3A_265 : i32 to index
      %get3A_267 = arith.index_cast %add3A_243 : i32 to index
      %get3A_268 = arith.constant 48 : index
      %get3A_269 = tpu.vector_load %arg6[%get3A_266, %get3A_267, %get3A_268] {strides = array<i32>} : memref<2x200x128xf32, #tpu.memory_space<vmem>>, vector<1x1x16xf32>,
      %get3A_270 = vector.shape_cast %get3A_269 : vector<1x1x16xf32> to vector<16xf32>
      %add3A_271 = arith.addf %add3A_239, %get3A_270 : vector<16xf32>
      %mul3A_272 = arith.constant 8 : i32
      %mul3A_273 = arith.muli %scan3A_172, %mul3A_272 : i32
      %add3A_274 = arith.constant 3 : i32
      %add3A_275 = arith.addi %mul3A_273, %add3A_274 : i32
      %get3A_276 = arith.constant 1 : i32
      %get3A_277 = arith.index_cast %get3A_276 : i32 to index
      %get3A_278 = arith.index_cast %add3A_275 : i32 to index
      %get3A_279 = arith.constant 0 : index
      %get3A_280 = tpu.vector_load %arg6[%get3A_277, %get3A_278, %get3A_279] {strides = array<i32>} : memref<2x200x128xf32, #tpu.memory_space<vmem>>, vector<1x1x16xf32>,
      %get3A_281 = vector.shape_cast %get3A_280 : vector<1x1x16xf32> to vector<16xf32>
      %add3A_282 = arith.addf %add3A_250, %get3A_281 : vector<16xf32>
      %get3A_283 = arith.constant 1 : i32
      %get3A_284 = arith.index_cast %get3A_283 : i32 to index
      %get3A_285 = arith.index_cast %add3A_275 : i32 to index
      %get3A_286 = arith.constant 16 : index
      %get3A_287 = tpu.vector_load %arg6[%get3A_284, %get3A_285, %get3A_286] {strides = array<i32>} : memref<2x200x128xf32, #tpu.memory_space<vmem>>, vector<1x1x16xf32>,
      %get3A_288 = vector.shape_cast %get3A_287 : vector<1x1x16xf32> to vector<16xf32>
      %add3A_289 = arith.addf %add3A_257, %get3A_288 : vector<16xf32>
      %get3A_290 = arith.constant 1 : i32
      %get3A_291 = arith.index_cast %get3A_290 : i32 to index
      %get3A_292 = arith.index_cast %add3A_275 : i32 to index
      %get3A_293 = arith.constant 32 : index
      %get3A_294 = tpu.vector_load %arg6[%get3A_291, %get3A_292, %get3A_293] {strides = array<i32>} : memref<2x200x128xf32, #tpu.memory_space<vmem>>, vector<1x1x16xf32>,
      %get3A_295 = vector.shape_cast %get3A_294 : vector<1x1x16xf32> to vector<16xf32>
      %add3A_296 = arith.addf %add3A_264, %get3A_295 : vector<16xf32>
      %get3A_297 = arith.constant 1 : i32
      %get3A_298 = arith.index_cast %get3A_297 : i32 to index
      %get3A_299 = arith.index_cast %add3A_275 : i32 to index
      %get3A_300 = arith.constant 48 : index
      %get3A_301 = tpu.vector_load %arg6[%get3A_298, %get3A_299, %get3A_300] {strides = array<i32>} : memref<2x200x128xf32, #tpu.memory_space<vmem>>, vector<1x1x16xf32>,
      %get3A_302 = vector.shape_cast %get3A_301 : vector<1x1x16xf32> to vector<16xf32>
      %add3A_303 = arith.addf %add3A_271, %get3A_302 : vector<16xf32>
      %mul3A_304 = arith.constant 8 : i32
      %mul3A_305 = arith.muli %scan3A_172, %mul3A_304 : i32
      %add3A_306 = arith.constant 4 : i32
      %add3A_307 = arith.addi %mul3A_305, %add3A_306 : i32
      %get3A_308 = arith.constant 1 : i32
      %get3A_309 = arith.index_cast %get3A_308 : i32 to index
      %get3A_310 = arith.index_cast %add3A_307 : i32 to index
      %get3A_311 = arith.constant 0 : index
      %get3A_312 = tpu.vector_load %arg6[%get3A_309, %get3A_310, %get3A_311] {strides = array<i32>} : memref<2x200x128xf32, #tpu.memory_space<vmem>>, vector<1x1x16xf32>,
      %get3A_313 = vector.shape_cast %get3A_312 : vector<1x1x16xf32> to vector<16xf32>
      %add3A_314 = arith.addf %add3A_282, %get3A_313 : vector<16xf32>
      %get3A_315 = arith.constant 1 : i32
      %get3A_316 = arith.index_cast %get3A_315 : i32 to index
      %get3A_317 = arith.index_cast %add3A_307 : i32 to index
      %get3A_318 = arith.constant 16 : index
      %get3A_319 = tpu.vector_load %arg6[%get3A_316, %get3A_317, %get3A_318] {strides = array<i32>} : memref<2x200x128xf32, #tpu.memory_space<vmem>>, vector<1x1x16xf32>,
      %get3A_320 = vector.shape_cast %get3A_319 : vector<1x1x16xf32> to vector<16xf32>
      %add3A_321 = arith.addf %add3A_289, %get3A_320 : vector<16xf32>
      %get3A_322 = arith.constant 1 : i32
      %get3A_323 = arith.index_cast %get3A_322 : i32 to index
      %get3A_324 = arith.index_cast %add3A_307 : i32 to index
      %get3A_325 = arith.constant 32 : index
      %get3A_326 = tpu.vector_load %arg6[%get3A_323, %get3A_324, %get3A_325] {strides = array<i32>} : memref<2x200x128xf32, #tpu.memory_space<vmem>>, vector<1x1x16xf32>,
      %get3A_327 = vector.shape_cast %get3A_326 : vector<1x1x16xf32> to vector<16xf32>
      %add3A_328 = arith.addf %add3A_296, %get3A_327 : vector<16xf32>
      %get3A_329 = arith.constant 1 : i32
      %get3A_330 = arith.index_cast %get3A_329 : i32 to index
      %get3A_331 = arith.index_cast %add3A_307 : i32 to index
      %get3A_332 = arith.constant 48 : index
      %get3A_333 = tpu.vector_load %arg6[%get3A_330, %get3A_331, %get3A_332] {strides = array<i32>} : memref<2x200x128xf32, #tpu.memory_space<vmem>>, vector<1x1x16xf32>,
      %get3A_334 = vector.shape_cast %get3A_333 : vector<1x1x16xf32> to vector<16xf32>
      %add3A_335 = arith.addf %add3A_303, %get3A_334 : vector<16xf32>
      %mul3A_336 = arith.constant 8 : i32
      %mul3A_337 = arith.muli %scan3A_172, %mul3A_336 : i32
      %add3A_338 = arith.constant 5 : i32
      %add3A_339 = arith.addi %mul3A_337, %add3A_338 : i32
      %get3A_340 = arith.constant 1 : i32
      %get3A_341 = arith.index_cast %get3A_340 : i32 to index
      %get3A_342 = arith.index_cast %add3A_339 : i32 to index
      %get3A_343 = arith.constant 0 : index
      %get3A_344 = tpu.vector_load %arg6[%get3A_341, %get3A_342, %get3A_343] {strides = array<i32>} : memref<2x200x128xf32, #tpu.memory_space<vmem>>, vector<1x1x16xf32>,
      %get3A_345 = vector.shape_cast %get3A_344 : vector<1x1x16xf32> to vector<16xf32>
      %add3A_346 = arith.addf %add3A_314, %get3A_345 : vector<16xf32>
      %get3A_347 = arith.constant 1 : i32
      %get3A_348 = arith.index_cast %get3A_347 : i32 to index
      %get3A_349 = arith.index_cast %add3A_339 : i32 to index
      %get3A_350 = arith.constant 16 : index
      %get3A_351 = tpu.vector_load %arg6[%get3A_348, %get3A_349, %get3A_350] {strides = array<i32>} : memref<2x200x128xf32, #tpu.memory_space<vmem>>, vector<1x1x16xf32>,
      %get3A_352 = vector.shape_cast %get3A_351 : vector<1x1x16xf32> to vector<16xf32>
      %add3A_353 = arith.addf %add3A_321, %get3A_352 : vector<16xf32>
      %get3A_354 = arith.constant 1 : i32
      %get3A_355 = arith.index_cast %get3A_354 : i32 to index
      %get3A_356 = arith.index_cast %add3A_339 : i32 to index
      %get3A_357 = arith.constant 32 : index
      %get3A_358 = tpu.vector_load %arg6[%get3A_355, %get3A_356, %get3A_357] {strides = array<i32>} : memref<2x200x128xf32, #tpu.memory_space<vmem>>, vector<1x1x16xf32>,
      %get3A_359 = vector.shape_cast %get3A_358 : vector<1x1x16xf32> to vector<16xf32>
      %add3A_360 = arith.addf %add3A_328, %get3A_359 : vector<16xf32>
      %get3A_361 = arith.constant 1 : i32
      %get3A_362 = arith.index_cast %get3A_361 : i32 to index
      %get3A_363 = arith.index_cast %add3A_339 : i32 to index
      %get3A_364 = arith.constant 48 : index
      %get3A_365 = tpu.vector_load %arg6[%get3A_362, %get3A_363, %get3A_364] {strides = array<i32>} : memref<2x200x128xf32, #tpu.memory_space<vmem>>, vector<1x1x16xf32>,
      %get3A_366 = vector.shape_cast %get3A_365 : vector<1x1x16xf32> to vector<16xf32>
      %add3A_367 = arith.addf %add3A_335, %get3A_366 : vector<16xf32>
      %mul3A_368 = arith.constant 8 : i32
      %mul3A_369 = arith.muli %scan3A_172, %mul3A_368 : i32
      %add3A_370 = arith.constant 6 : i32
      %add3A_371 = arith.addi %mul3A_369, %add3A_370 : i32
      %get3A_372 = arith.constant 1 : i32
      %get3A_373 = arith.index_cast %get3A_372 : i32 to index
      %get3A_374 = arith.index_cast %add3A_371 : i32 to index
      %get3A_375 = arith.constant 0 : index
      %get3A_376 = tpu.vector_load %arg6[%get3A_373, %get3A_374, %get3A_375] {strides = array<i32>} : memref<2x200x128xf32, #tpu.memory_space<vmem>>, vector<1x1x16xf32>,
      %get3A_377 = vector.shape_cast %get3A_376 : vector<1x1x16xf32> to vector<16xf32>
      %add3A_378 = arith.addf %add3A_346, %get3A_377 : vector<16xf32>
      %get3A_379 = arith.constant 1 : i32
      %get3A_380 = arith.index_cast %get3A_379 : i32 to index
      %get3A_381 = arith.index_cast %add3A_371 : i32 to index
      %get3A_382 = arith.constant 16 : index
      %get3A_383 = tpu.vector_load %arg6[%get3A_380, %get3A_381, %get3A_382] {strides = array<i32>} : memref<2x200x128xf32, #tpu.memory_space<vmem>>, vector<1x1x16xf32>,
      %get3A_384 = vector.shape_cast %get3A_383 : vector<1x1x16xf32> to vector<16xf32>
      %add3A_385 = arith.addf %add3A_353, %get3A_384 : vector<16xf32>
      %get3A_386 = arith.constant 1 : i32
      %get3A_387 = arith.index_cast %get3A_386 : i32 to index
      %get3A_388 = arith.index_cast %add3A_371 : i32 to index
      %get3A_389 = arith.constant 32 : index
      %get3A_390 = tpu.vector_load %arg6[%get3A_387, %get3A_388, %get3A_389] {strides = array<i32>} : memref<2x200x128xf32, #tpu.memory_space<vmem>>, vector<1x1x16xf32>,
      %get3A_391 = vector.shape_cast %get3A_390 : vector<1x1x16xf32> to vector<16xf32>
      %add3A_392 = arith.addf %add3A_360, %get3A_391 : vector<16xf32>
      %get3A_393 = arith.constant 1 : i32
      %get3A_394 = arith.index_cast %get3A_393 : i32 to index
      %get3A_395 = arith.index_cast %add3A_371 : i32 to index
      %get3A_396 = arith.constant 48 : index
      %get3A_397 = tpu.vector_load %arg6[%get3A_394, %get3A_395, %get3A_396] {strides = array<i32>} : memref<2x200x128xf32, #tpu.memory_space<vmem>>, vector<1x1x16xf32>,
      %get3A_398 = vector.shape_cast %get3A_397 : vector<1x1x16xf32> to vector<16xf32>
      %add3A_399 = arith.addf %add3A_367, %get3A_398 : vector<16xf32>
      %mul3A_400 = arith.constant 8 : i32
      %mul3A_401 = arith.muli %scan3A_172, %mul3A_400 : i32
      %add3A_402 = arith.constant 7 : i32
      %add3A_403 = arith.addi %mul3A_401, %add3A_402 : i32
      %get3A_404 = arith.constant 1 : i32
      %get3A_405 = arith.index_cast %get3A_404 : i32 to index
      %get3A_406 = arith.index_cast %add3A_403 : i32 to index
      %get3A_407 = arith.constant 0 : index
      %get3A_408 = tpu.vector_load %arg6[%get3A_405, %get3A_406, %get3A_407] {strides = array<i32>} : memref<2x200x128xf32, #tpu.memory_space<vmem>>, vector<1x1x16xf32>,
      %get3A_409 = vector.shape_cast %get3A_408 : vector<1x1x16xf32> to vector<16xf32>
      %add3A_410 = arith.addf %add3A_378, %get3A_409 : vector<16xf32>
      %get3A_411 = arith.constant 1 : i32
      %get3A_412 = arith.index_cast %get3A_411 : i32 to index
      %get3A_413 = arith.index_cast %add3A_403 : i32 to index
      %get3A_414 = arith.constant 16 : index
      %get3A_415 = tpu.vector_load %arg6[%get3A_412, %get3A_413, %get3A_414] {strides = array<i32>} : memref<2x200x128xf32, #tpu.memory_space<vmem>>, vector<1x1x16xf32>,
      %get3A_416 = vector.shape_cast %get3A_415 : vector<1x1x16xf32> to vector<16xf32>
      %add3A_417 = arith.addf %add3A_385, %get3A_416 : vector<16xf32>
      %get3A_418 = arith.constant 1 : i32
      %get3A_419 = arith.index_cast %get3A_418 : i32 to index
      %get3A_420 = arith.index_cast %add3A_403 : i32 to index
      %get3A_421 = arith.constant 32 : index
      %get3A_422 = tpu.vector_load %arg6[%get3A_419, %get3A_420, %get3A_421] {strides = array<i32>} : memref<2x200x128xf32, #tpu.memory_space<vmem>>, vector<1x1x16xf32>,
      %get3A_423 = vector.shape_cast %get3A_422 : vector<1x1x16xf32> to vector<16xf32>
      %add3A_424 = arith.addf %add3A_392, %get3A_423 : vector<16xf32>
      %get3A_425 = arith.constant 1 : i32
      %get3A_426 = arith.index_cast %get3A_425 : i32 to index
      %get3A_427 = arith.index_cast %add3A_403 : i32 to index
      %get3A_428 = arith.constant 48 : index
      %get3A_429 = tpu.vector_load %arg6[%get3A_426, %get3A_427, %get3A_428] {strides = array<i32>} : memref<2x200x128xf32, #tpu.memory_space<vmem>>, vector<1x1x16xf32>,
      %get3A_430 = vector.shape_cast %get3A_429 : vector<1x1x16xf32> to vector<16xf32>
      %add3A_431 = arith.addf %add3A_399, %get3A_430 : vector<16xf32>
      scf.yield %add3A_410, %add3A_417, %add3A_424, %add3A_431 : vector<16xf32>, vector<16xf32>, vector<16xf32>, vector<16xf32>
    }
    %scan3A_147 = arith.constant 25 : i32
    %swap3A_148 = arith.constant 127 : i32
    %swap3A_149 = arith.index_cast %swap3A_148 : i32 to index
    %swap3A_150 = arith.constant 0 : index
    %swap3A_151 = tpu.vector_load %arg7[%swap3A_149, %swap3A_150] {strides = array<i32>} : memref<128x64xf32, #tpu.memory_space<vmem>>, vector<1x16xf32>,
    %swap3A_152 = vector.shape_cast %swap3A_151 : vector<1x16xf32> to vector<16xf32>
    %swap3A_153 = vector.shape_cast %scan3A_146#0 : vector<16xf32> to vector<1x16xf32>
    tpu.vector_store %arg7[%swap3A_149, %swap3A_150], %swap3A_153 {strides = array<i32>} : memref<128x64xf32, #tpu.memory_space<vmem>>, vector<1x16xf32>,
    %swap3A_154 = arith.constant 127 : i32
    %swap3A_155 = arith.index_cast %swap3A_154 : i32 to index
    %swap3A_156 = arith.constant 16 : index
    %swap3A_157 = tpu.vector_load %arg7[%swap3A_155, %swap3A_156] {strides = array<i32>} : memref<128x64xf32, #tpu.memory_space<vmem>>, vector<1x16xf32>,
    %swap3A_158 = vector.shape_cast %swap3A_157 : vector<1x16xf32> to vector<16xf32>
    %swap3A_159 = vector.shape_cast %scan3A_146#1 : vector<16xf32> to vector<1x16xf32>
    tpu.vector_store %arg7[%swap3A_155, %swap3A_156], %swap3A_159 {strides = array<i32>} : memref<128x64xf32, #tpu.memory_space<vmem>>, vector<1x16xf32>,
    %swap3A_160 = arith.constant 127 : i32
    %swap3A_161 = arith.index_cast %swap3A_160 : i32 to index
    %swap3A_162 = arith.constant 32 : index
    %swap3A_163 = tpu.vector_load %arg7[%swap3A_161, %swap3A_162] {strides = array<i32>} : memref<128x64xf32, #tpu.memory_space<vmem>>, vector<1x16xf32>,
    %swap3A_164 = vector.shape_cast %swap3A_163 : vector<1x16xf32> to vector<16xf32>
    %swap3A_165 = vector.shape_cast %scan3A_146#2 : vector<16xf32> to vector<1x16xf32>
    tpu.vector_store %arg7[%swap3A_161, %swap3A_162], %swap3A_165 {strides = array<i32>} : memref<128x64xf32, #tpu.memory_space<vmem>>, vector<1x16xf32>,
    %swap3A_166 = arith.constant 127 : i32
    %swap3A_167 = arith.index_cast %swap3A_166 : i32 to index
    %swap3A_168 = arith.constant 48 : index
    %swap3A_169 = tpu.vector_load %arg7[%swap3A_167, %swap3A_168] {strides = array<i32>} : memref<128x64xf32, #tpu.memory_space<vmem>>, vector<1x16xf32>,
    %swap3A_170 = vector.shape_cast %swap3A_169 : vector<1x16xf32> to vector<16xf32>
    %swap3A_171 = vector.shape_cast %scan3A_146#3 : vector<16xf32> to vector<1x16xf32>
    tpu.vector_store %arg7[%swap3A_167, %swap3A_168], %swap3A_171 {strides = array<i32>} : memref<128x64xf32, #tpu.memory_space<vmem>>, vector<1x16xf32>,
    "tpu.region"() ({
      %run_scoped3A = tpu.sem_alloc : memref<!tpu.dma_semaphore, #tpu.memory_space<semaphore_mem>>
      %dma_start3A_172 = arith.constant 0 : i32
      %dma_start3A_173 = tpu.memref_slice %arg4[%mul3A_2, %dma_start3A_172] : memref<4096x64xf32, #tpu.memory_space<hbm>> -> memref<128x64xf32, #tpu.memory_space<hbm>>
      %dma_start3A_174 = arith.constant 0 : i32
      %dma_start3A_175 = tpu.memref_slice %arg4[%mul3A_2, %dma_start3A_174] : memref<4096x64xf32, #tpu.memory_space<hbm>> -> memref<128x64xf32, #tpu.memory_space<hbm>>
      tpu.enqueue_dma source(%arg7 : memref<128x64xf32, #tpu.memory_space<vmem>>) target(%dma_start3A_175 : memref<128x64xf32, #tpu.memory_space<hbm>>) target_semaphore(%run_scoped3A : memref<!tpu.dma_semaphore, #tpu.memory_space<semaphore_mem>>)
      %dma_wait3A_176 = arith.constant 0 : i32
      %dma_wait3A_177 = tpu.memref_slice %arg4[%mul3A_2, %dma_wait3A_176] : memref<4096x64xf32, #tpu.memory_space<hbm>> -> memref<128x64xf32, #tpu.memory_space<hbm>>
      %dma_wait3A_178 = arith.constant 0 : i32
      %dma_wait3A_179 = tpu.memref_slice %arg4[%mul3A_2, %dma_wait3A_178] : memref<4096x64xf32, #tpu.memory_space<hbm>> -> memref<128x64xf32, #tpu.memory_space<hbm>>
      tpu.wait_dma2 semaphore(%run_scoped3A : memref<!tpu.dma_semaphore, #tpu.memory_space<semaphore_mem>>) src(%arg7 : memref<128x64xf32, #tpu.memory_space<vmem>>) dst(%dma_wait3A_179 : memref<128x64xf32, #tpu.memory_space<hbm>>)
      tpu.yield
    }) : () -> ()
    return
  }
}

module attributes {stable_mosaic.version = 14 : i64} {
  func.func @body(%arg0: i32, %arg1: memref<512x64xf32, #tpu.memory_space<vmem>>, %arg2: memref<512x1xf32, #tpu.memory_space<vmem>>, %arg3: memref<64x1000xf32, #tpu.memory_space<vmem>>, %arg4: memref<1x1000xf32, #tpu.memory_space<vmem>>, %arg5: memref<1000x128xf32, #tpu.memory_space<vmem>>, %arg6: memref<1x128xf32, #tpu.memory_space<vmem>>, %arg7: memref<512x128xf32, #tpu.memory_space<vmem>>) attributes {dimension_semantics = [#tpu.dimension_semantics<arbitrary>], iteration_bounds = array<i64: 8>, scalar_prefetch = 0 : i64, scratch_operands = 0 : i64, tpu.core_type = #tpu.core_type<tc>, window_params = [{transform_indices = @transform_0, window_bounds = array<i64: 512, 64>}, {transform_indices = @transform_1, window_bounds = array<i64: 512, 1>}, {pipeline_mode = #tpu.pipeline_mode<synchronous>, transform_indices = @transform_2, window_bounds = array<i64: 64, 1000>}, {pipeline_mode = #tpu.pipeline_mode<synchronous>, transform_indices = @transform_3, window_bounds = array<i64: 1, 1000>}, {pipeline_mode = #tpu.pipeline_mode<synchronous>, transform_indices = @transform_4, window_bounds = array<i64: 1000, 128>}, {pipeline_mode = #tpu.pipeline_mode<synchronous>, transform_indices = @transform_5, window_bounds = array<i64: 1, 128>}, {transform_indices = @transform_6, window_bounds = array<i64: 512, 128>}]} {
    %get3A = arith.constant 0 : index
    %get3A_0 = arith.constant 0 : index
    %get3A_1 = vector.load %arg1[%get3A, %get3A_0] : memref<512x64xf32, #tpu.memory_space<vmem>>, vector<512x64xf32>
    %get3A_2 = arith.constant 0 : index
    %get3A_3 = arith.constant 0 : index
    %get3A_4 = vector.load %arg2[%get3A_2, %get3A_3] : memref<512x1xf32, #tpu.memory_space<vmem>>, vector<512x1xf32>
    %div3A = vector.broadcast %get3A_4 : vector<512x1xf32> to vector<512x64xf32>
    %div3A_5 = arith.divf %get3A_1, %div3A : vector<512x64xf32>
    %get3A_6 = arith.constant 0 : index
    %get3A_7 = arith.constant 0 : index
    %get3A_8 = vector.load %arg3[%get3A_6, %get3A_7] : memref<64x1000xf32, #tpu.memory_space<vmem>>, vector<64x1000xf32>
    %dot_general3A = arith.constant dense<0.000000e+00> : vector<512x1000xf32>
    %dot_general3A_9 = tpu.matmul %div3A_5, %get3A_8, %dot_general3A {dimension_numbers = #tpu.dot_dimension_numbers<[1], [0], [0], [1], [0, 0, 1, 1], [], []>, transpose_lhs_hint = false} : vector<512x64xf32>, vector<64x1000xf32>, vector<512x1000xf32> -> vector<512x1000xf32>
    %get3A_10 = arith.constant 0 : index
    %get3A_11 = arith.constant 0 : index
    %get3A_12 = vector.load %arg4[%get3A_10, %get3A_11] : memref<1x1000xf32, #tpu.memory_space<vmem>>, vector<1x1000xf32>
    %add3A = vector.broadcast %get3A_12 : vector<1x1000xf32> to vector<512x1000xf32>
    %add3A_13 = arith.addf %dot_general3A_9, %add3A : vector<512x1000xf32>
    %max3A = arith.constant 0.000000e+00 : f32
    %max3A_14 = vector.broadcast %max3A : f32 to vector<512x1000xf32>
    %max3A_15 = arith.maximumf %add3A_13, %max3A_14 : vector<512x1000xf32>
    %get3A_16 = arith.constant 0 : index
    %get3A_17 = arith.constant 0 : index
    %get3A_18 = vector.load %arg5[%get3A_16, %get3A_17] : memref<1000x128xf32, #tpu.memory_space<vmem>>, vector<1000x128xf32>
    %dot_general3A_19 = arith.constant dense<0.000000e+00> : vector<512x128xf32>
    %dot_general3A_20 = tpu.matmul %max3A_15, %get3A_18, %dot_general3A_19 {dimension_numbers = #tpu.dot_dimension_numbers<[1], [0], [0], [1], [0, 0, 1, 1], [], []>, transpose_lhs_hint = false} : vector<512x1000xf32>, vector<1000x128xf32>, vector<512x128xf32> -> vector<512x128xf32>
    %get3A_21 = arith.constant 0 : index
    %get3A_22 = arith.constant 0 : index
    %get3A_23 = vector.load %arg6[%get3A_21, %get3A_22] : memref<1x128xf32, #tpu.memory_space<vmem>>, vector<1x128xf32>
    %add3A_24 = vector.broadcast %get3A_23 : vector<1x128xf32> to vector<512x128xf32>
    %add3A_25 = arith.addf %dot_general3A_20, %add3A_24 : vector<512x128xf32>
    %swap3A = arith.constant 0 : index
    %swap3A_26 = arith.constant 0 : index
    %swap3A_27 = vector.load %arg7[%swap3A, %swap3A_26] : memref<512x128xf32, #tpu.memory_space<vmem>>, vector<512x128xf32>
    tpu.vector_store %arg7[%swap3A, %swap3A_26], %add3A_25 {strides = array<i32>} : memref<512x128xf32, #tpu.memory_space<vmem>>, vector<512x128xf32>,
    return
  }
  func.func @transform_0(%arg0: i32) -> (i32, i32) {
    %c0_i32 = arith.constant 0 : i32
    %c0_i32_0 = arith.constant 0 : i32
    return %arg0, %c0_i32 : i32, i32
  }
  func.func @transform_1(%arg0: i32) -> (i32, i32) {
    %c0_i32 = arith.constant 0 : i32
    %c0_i32_0 = arith.constant 0 : i32
    return %arg0, %c0_i32 : i32, i32
  }
  func.func @transform_2(%arg0: i32) -> (i32, i32) {
    %c0_i32 = arith.constant 0 : i32
    %c0_i32_0 = arith.constant 0 : i32
    %c0_i32_1 = arith.constant 0 : i32
    return %c0_i32, %c0_i32_0 : i32, i32
  }
  func.func @transform_3(%arg0: i32) -> (i32, i32) {
    %c0_i32 = arith.constant 0 : i32
    %c0_i32_0 = arith.constant 0 : i32
    %c0_i32_1 = arith.constant 0 : i32
    return %c0_i32, %c0_i32_0 : i32, i32
  }
  func.func @transform_4(%arg0: i32) -> (i32, i32) {
    %c0_i32 = arith.constant 0 : i32
    %c0_i32_0 = arith.constant 0 : i32
    %c0_i32_1 = arith.constant 0 : i32
    return %c0_i32, %c0_i32_0 : i32, i32
  }
  func.func @transform_5(%arg0: i32) -> (i32, i32) {
    %c0_i32 = arith.constant 0 : i32
    %c0_i32_0 = arith.constant 0 : i32
    %c0_i32_1 = arith.constant 0 : i32
    return %c0_i32, %c0_i32_0 : i32, i32
  }
  func.func @transform_6(%arg0: i32) -> (i32, i32) {
    %c0_i32 = arith.constant 0 : i32
    %c0_i32_0 = arith.constant 0 : i32
    return %arg0, %c0_i32 : i32, i32
  }
}

</mosaic_0001>

<sc_bundles>
// kernel: kernel.4.cloned.1.call-start
scs
__scs_entry_jumppad:
0x0: {  	(pc) =	sbr.rel $0x88, $3  }
0x1: {  	(tag) =	ssettag $0x0;
	lr =	simm.s32 $0x1  }
0x2: {  	[smem:$0x3F9A] =	sst lr;
	_ =	strace $0xD0000000  }
0x3: {  	_ = 	snop  }
0x4: {  	_ = 	snop  }
0x5: {  	_ = 	snop  }
0x6: {  	_ = 	snop  }
0x7: {  	_ = 	snop  }
__scs_overlays_trampoline_lowered:
0x8: {  	[smem:$0x3FA9] =	sst s0  }
0x9: {  	[smem:$0x3FAA] =	sst s1  }
0xa: {  	[smem:$0x3FAB] =	sst s2  }
0xb: {  	[smem:$0x3FAC] =	sst s3  }
0xc: {  	[smem:$0x3FAD] =	sst s4  }
0xd: {  	[smem:$0x3FAE] =	sst s5  }
0xe: {  	[smem:$0x3FAF] =	sst s6  }
0xf: {  	[smem:$0x3FB0] =	sst s7  }
0x10: {  	[smem:$0x3FB1] =	sst s8  }
0x11: {  	[smem:$0x3FB2] =	sst s9;
	s0 =	simm.s32 @!p0 $0x0  }
0x12: {  	s1 =	sld [smem:$0x3F98];
	s0 =	simm.s32 @p0 $0x1  }
0x13: {  	[smem:$0x3FB3] =	sst s0;
	s0 =	simm.s32 @!p1 $0x0  }
0x14: {  	s2 =	sld [smem:$0x3F97];
	s0 =	simm.s32 @p1 $0x1  }
0x15: {  	[smem:$0x3FB4] =	sst s0;
	s0 =	simm.s32 @!p2 $0x0  }
0x16: {  	s3 =	sld [smem:$0x3FDB];
	s0 =	simm.s32 @p2 $0x1  }
0x17: {  	s4 =	simm.s32 $0x1BF5;
	[smem:$0x3FB6] =	sst s0  }
0x18: {  	s0 =	sld [smem:$0x3F99];
	_ =	swait.ge [sflag:s4], $0x0  }
0x19: {  	s7 =	sld [smem:$0x3F9A]  }
0x1a: {  	s8 =	sadd.s32 $0xFFFFE003, lr  }
0x1b: {  	s9 =	sadd.s32 $0xFFFFFEF7, lr;
	s5 =	simm.s32 $0xFFFFFFFF;
	p2 =	slt.u32 s8, $0xFFFFF086  }
0x1c: {  	p1 =	slt.u32 s9, $0xF7A;
	s5 =	simm.s32 @!p2 $0x0  }
0x1d: {  	s5 =	simm.s32 @p1 $0x1;
	p0 =	seq.s32 s7, s2  }
0x1e: {  	s7 =	smul.u32 @!p0 $0xF7A, s2;
	p2 =	seq.s32 @!p0 s5, $0x0  }
0x1f: {  	s9 =	smul.u32 $0xF7A, s1;
	s8 =	simm.s32 @!p0 $0x1BF5;
	p2 =	por !p2, p0  }
0x20: {  	[sflag:s8] =	ssyncset.s32 @!p0 $0xFFFFF086;
	s6 =	sadd.s32 @!p0 s3, s7;
	s7 =	simm.s32 @!p0 $0x108  }
0x21: {  	s3 =	sadd.s32 s3, s9;
	s6 =	sadd.s32 @!p0 $0x88, s6;
	s7 =	simm.s32 @p2 $0x1082  }
0x22: {  	[simem:s7], [sflag:s8] =	dma.local @!p0 [hbm:s6], $0xF7A  }
0x23: {  	s9 =	sor.u32 $0xD0000000, s2;
	s6 =	simm.s32 $0x108;
	_ =	swait.ge @!p0 [sflag:s8], $0x0  }
0x24: {  	s3 =	sadd.s32 $0x88, s3;
	s6 =	simm.s32 @!p1 $0x1082;
	[sflag:s4] =	ssyncset.s32 $0xFFFFF086  }
0x25: {  	[simem:s6], [sflag:s4] =	dma.local [hbm:s3], $0xF7A  }
0x26: {  	[smem:$0x3F9A] =	sst s1;
	(tag) =	ssettag s2;
	_ =	strace s9  }
0x27: {  	s1 =	sld [smem:$0x3FAA]  }
0x28: {  	s2 =	sld [smem:$0x3FAB]  }
0x29: {  	s4 =	sld [smem:$0x3FAD]  }
0x2a: {  	p0 =	seq.s32 s5, $0x0;
	s5 =	sld [smem:$0x3FAE]  }
0x2b: {  	s6 =	sld [smem:$0x3FAF]  }
0x2c: {  	s7 =	sld [smem:$0x3FB0]  }
0x2d: {  	s3 =	simm.s32 $0x108;
	s8 =	sld [smem:$0x3FB1]  }
0x2e: {  	s3 =	simm.s32 @!p0 $0x1082;
	s9 =	sld [smem:$0x3FB2]  }
0x2f: {  	lr =	sadd.s32 s0, s3;
	s0 =	sld [smem:$0x3FA9]  }
0x30: {  	s3 =	sld [smem:$0x3FAC]  }
0x31: {  	[smem:$0x3FB5] =	sst s10  }
0x32: {  	s10 =	sld [smem:$0x3FB3];
	_ =	sdelay $0x3  }
0x33: {  	p0 =	seq.s32 s10, $0x1;
	s10 =	sld [smem:$0x3FB5];
	_ =	sdelay $0x3  }
0x34: {  	[smem:$0x3FB5] =	sst s10  }
0x35: {  	s10 =	sld [smem:$0x3FB4];
	_ =	sdelay $0x3  }
0x36: {  	p1 =	seq.s32 s10, $0x1;
	s10 =	sld [smem:$0x3FB5];
	_ =	sdelay $0x3  }
0x37: {  	[smem:$0x3FB5] =	sst s10  }
0x38: {  	s10 =	sld [smem:$0x3FB6]  }
0x39: {  	_ = 	snop;
	(pc) =	sbr.ind lr, $3  }
0x3a: {  	_ = 	snop  }
0x3b: {  	_ = 	snop  }
0x3c: {  	p2 =	seq.s32 s10, $0x1;
	s10 =	sld [smem:$0x3FB5]  }
0x3d: {  	_ =	shalt  }
0x3e: {  	_ =	shalt  }
0x3f: {  	_ =	shalt  }
0x40: {  	_ =	shalt  }
0x41: {  	_ =	shalt  }
0x42: {  	_ =	shalt  }
0x43: {  	_ =	shalt  }
0x44: {  	_ =	shalt  }
0x45: {  	_ =	shalt  }
0x46: {  	_ =	shalt  }
0x47: {  	_ =	shalt  }
0x48: {  	_ =	shalt  }
0x49: {  	_ =	shalt  }
0x4a: {  	_ =	shalt  }
0x4b: {  	_ =	shalt  }
0x4c: {  	_ =	shalt  }
0x4d: {  	_ =	shalt  }
0x4e: {  	_ =	shalt  }
0x4f: {  	_ =	shalt  }
0x50: {  	_ =	shalt  }
0x51: {  	_ =	shalt  }
0x52: {  	_ =	shalt  }
0x53: {  	_ =	shalt  }
0x54: {  	_ =	shalt  }
0x55: {  	_ =	shalt  }
0x56: {  	_ =	shalt  }
0x57: {  	_ =	shalt  }
0x58: {  	_ =	shalt  }
0x59: {  	_ =	shalt  }
0x5a: {  	_ =	shalt  }
0x5b: {  	_ =	shalt  }
0x5c: {  	_ =	shalt  }
0x5d: {  	_ =	shalt  }
0x5e: {  	_ =	shalt  }
0x5f: {  	_ =	shalt  }
0x60: {  	_ =	shalt  }
0x61: {  	_ =	shalt  }
0x62: {  	_ =	shalt  }
0x63: {  	_ =	shalt  }
0x64: {  	_ =	shalt  }
0x65: {  	_ =	shalt  }
0x66: {  	_ =	shalt  }
0x67: {  	_ =	shalt  }
0x68: {  	_ =	shalt  }
0x69: {  	_ =	shalt  }
0x6a: {  	_ =	shalt  }
0x6b: {  	_ =	shalt  }
0x6c: {  	_ =	shalt  }
0x6d: {  	_ =	shalt  }
0x6e: {  	_ =	shalt  }
0x6f: {  	_ =	shalt  }
0x70: {  	_ =	shalt  }
0x71: {  	_ =	shalt  }
0x72: {  	_ =	shalt  }
0x73: {  	_ =	shalt  }
0x74: {  	_ =	shalt  }
0x75: {  	_ =	shalt  }
0x76: {  	_ =	shalt  }
0x77: {  	_ =	shalt  }
0x78: {  	_ =	shalt  }
0x79: {  	_ =	shalt  }
0x7a: {  	_ =	shalt  }
0x7b: {  	_ =	shalt  }
0x7c: {  	_ =	shalt  }
0x7d: {  	_ =	shalt  }
0x7e: {  	_ =	shalt  }
0x7f: {  	_ =	shalt  }
0x80: {  	_ =	shalt  }
0x81: {  	_ =	shalt  }
0x82: {  	_ =	shalt  }
0x83: {  	_ =	shalt  }
0x84: {  	_ =	shalt  }
0x85: {  	_ =	shalt  }
0x86: {  	_ =	shalt  }
0x87: {  	_ =	shalt  }
.Lfunc_end0:
.L_simem_size_0:
called_computation_lowered:
.L_overlay_start_0:
0x88: {  	s2 =	sld [smem:$0x3FD9]  }
0x89: {  	s3 =	sld [smem:$0x3FFE];
	_ =	sdelay $0x1  }
0x8a: {  	s1 =	srdreg.scid  }
0x8b: {  	s0 =	sand.u32 $0x1, s1  }
0x8c: {  	s16 =	sshll.u32 s0, $0xA;
	s2 =	sadd.s32 s3, s2  }
0x8d: {  	s2 =	sadd.s32 s2, s16  }
0x8e: {  	[smem:$0x3FC1] =	sst s2  }
0x8f: {  	_ = 	snop  }
0x90: {  	(tm) =	ssettm $0x1  }
0x91: {  	s17 =	sld [smem:$0x3FFB];
	_ =	sdelay $0x3  }
0x92: {  	_ =	strace s17  }
0x93: {  	s2 =	sld [smem:$0x3FFC];
	_ =	sdelay $0x3  }
0x94: {  	_ =	strace s2  }
0x95: {  	s2 =	sld [smem:$0x3FFD];
	_ =	sdelay $0x3  }
0x96: {  	_ =	strace s2  }
0x97: {  	_ =	strace $0x8FFFFFFF  }
0x98: {  	s18 =	sld [smem:$0x3FDB];
	_ =	sdelay $0x1  }
0x99: {  	s19 =	simm.s32 $_scs_section_size  }
0x9a: {  	s4 =	simm.s32 $_size__tile_overlayer_lowered;
	s5 =	simm.s32 $_tile_overlayer_lowered  }
0x9b: {  	s22 =	simm.s32 $0x1BFF;
	s21 =	sshll.u32 s5, $0x1;
	s2 =	sadd.s32 s19, s18  }
0x9c: {  	s6 =	simm.s32 $0x0;
	s20 =	sshll.u32 s4, $0x1;
	s4 =	sadd.s32 s21, s2  }
0x9d: {  	[timem:s6], [sflag:s22] =	dma.local [hbm:s4], s20  }
0x9e: {  	_ =	swait.ge [sflag:s22], s20  }
0x9f: {  	s3 =	ssub.s32 $0x0, s20;
	[sflag:s22] =	ssyncset.done $0x0  }
0xa0: {  	[sflag:s22] =	ssyncadd.s32 s3;
	_ =	sdelay $0x1  }
0xa1: {  	s23 =	simm.s32 $0x1B8B  }
0xa2: {  	_ =	swait.ge [sflag:s23], $0x1  }
0xa3: {  	[sflag:s23] =	ssyncset.done $0x0  }
0xa4: {  	s25 =	simm.s32 $0x1B8E;
	s24 =	sld [smem:$0x3FFE];
	[sflag:s23] =	ssyncadd.s32 $0xFFFFFFFF  }
0xa5: {  	s26 =	simm.s32 $execute0_lowered;
	[smem:$0x3FD2] =	sst s25  }
0xa6: {  	s4 =	sshll.u32 s26, $0x1;
	_ =	strace $0x80000046;
	[dreg:$0x1] =	wrdreg $0xFFFFFFFF  }
0xa7: {  	s28 =	simm.s32 $_size_execute0_lowered;
	s2 =	sadd.s32 s2, s4;
	[dreg:$0x0] =	wrdreg $0x0  }
0xa8: {  	s4 =	sshll.u32 s28, $0x1;
	[dreg:$0x2] =	wrdreg s2  }
0xa9: {  	[dreg:$0x3] =	wrdreg s4  }
0xaa: {  	[dreg:$0x4] =	wrdreg $0xC0  }
0xab: {  	_ =	task [dreg:s6], $0x5FFFF  }
0xac: {  	[dreg:$0x1] =	wrdreg $0xFFFFFFFF  }
0xad: {  	[dreg:$0x0] =	wrdreg $0x60  }
0xae: {  	[dreg:$0x2] =	wrdreg s24  }
0xaf: {  	[dreg:$0x3] =	wrdreg $0x9  }
0xb0: {  	_ =	task.clear_ibuf [dreg:s6], $0x4FFFF;
	_ =	strace $0x90000046  }
0xb1: {  	s29 =	simm.s32 $0x9;
	_ =	strace $0x80000048  }
0xb2: {  	_ =	swait.ge [sflag:s29], $0x1  }
0xb3: {  	[sflag:s29] =	ssyncadd.s32 $0xFFFFFFFF  }
0xb4: {  	_ =	strace $0x90000048  }
0xb5: {  	_ =	sfence  }
0xb6: {  	s30 =	sld [smem:$0x0];
	_ =	sdelay $0x2  }
0xb7: {  	s31 =	sshll.u32 s1, $0xD;
	s1 =	sshrl.u32 s1, $0x2  }
0xb8: {  	s3 =	sand.u32 $0x4000, s31;
	s1 =	sadd.s32 s1, s30  }
0xb9: {  	s0 =	sor.u32 s3, s0;
	s1 =	sshll.u32 s1, $0x11  }
0xba: {  	s0 =	sor.u32 s1, s0  }
0xbb: {  	s0 =	sadd.s32 $0x8F2B, s0  }
0xbc: {  	[sflag:s0] =	ssyncadd.remote.s32 $0x1  }
0xbd: {  	_ =	sfence.sel $0xFFFF  }
0xbe: {  	[dreg:$0x0] =	wrdreg $0xFFFFFFFF;
	(pc) =	sbr.abs _section_cstart, $3  }
0xbf: {  	[dreg:$0x1] =	wrdreg $0xFFFFFFFF  }
0xc0: {  	_ =	task.clear_ibuf [dreg:s6], $0x2FFFF;
	_ =	strace $0x9FFFFFFF  }
0xc1: {  	(tm) =	ssettm $0x7FFFFFFF  }
tec
execute0_lowered:
.L_overlay_start_1:
0x0: {  	(tag) =	ssettag $0x1  }
0x1: {  	s1 =	srdreg.scid;
	s0 =	stileid.u32  }
0x2: {  	s4 =	rddreg [dreg:$0x0];
	s2 =	simm.s32 $0x0;
	s9 =	simm.s32 $0x8000  }
0x3: {  	s10 =	simm.s32 $0x80;
	s11 =	simm.s32 $0xB200;
	s12 =	simm.s32 $0x100  }
0x4: {  	s13 =	simm.s32 $0xE400;
	s14 =	simm.s32 $0x180;
	s15 =	simm.s32 $0x11600  }
0x5: {  	s16 =	simm.s32 $0x1;
	s17 =	simm.s32 $0x2;
	s18 =	simm.s32 $0x14800  }
0x6: {  	s19 =	simm.s32 $0x0;
	s3 =	sand.u32 $0x1, s1;
	s1 =	rddreg [dreg:$0x1]  }
0x7: {  	s5 =	sshll.u32 s0, $0x8;
	[smem:$0x7FF] =	sst s2;
	s6 =	sshll.u32 s3, $0x7  }
0x8: {  	_ =	strace $0x80000047;
	s7 =	ssub.s32 $0x2, s3;
	s5 =	sor.u32 s6, s5  }
0x9: {  	s3 =	sadd.s32 $0x1A7C00, s4;
	s8 =	sshrl.u32 s7, $0x1;
	s6 =	sshll.u32 s5, $0x5  }
0xa: {  	s5 =	sshll.u32 s5, $0x4;
	s7 =	ssub.s32 s7, s8;
	s6 =	sadd.s32 s6, s4  }
0xb: {  	s8 =	simm.s32 $0x64;
	s5 =	sadd.s32 s5, s4;
	s4 =	sadd.s32 $0x187C00, s6  }
0xc: {  	s5 =	sadd.s32 $0x1200, s5;
	s6 =	smax.u32 s7, $0x1;
	s7 =	simm.s32 $0x3  }
.LBB2_1:
0xd: {  	[tilespmem:s2], [sflag:$0x3] =	stream.linear.gather [hbm4b:s4+s2], $0x8000, $0x38;
	[tilespmem:$0x18800] =	vst v63  }
0xe: {  	_ =	swait.ge [sflag:s7], $0x8000  }
0xf: {  	[sflag:s7] =	ssyncset.done $0x0  }
0x10: {  	[sflag:s7] =	ssyncadd.s32 $0xFFFF8000  }
0x11: {  	[tilespmem:s9], [sflag:$0x1] =	stream.indirect.gather [hbm4b:s3+s8], $0x80, s2, s8, $0xb8;
	[tilespmem:$0x18800] =	vst v63  }
0x12: {  	_ = 	snop  }
0x13: {  	[tilespmem:s11], [sflag:$0x1] =	stream.indirect.gather [hbm4b:s3+s8], $0x80, s10, s8, $0xb8;
	[tilespmem:$0x18800] =	vst v63  }
0x14: {  	_ = 	snop  }
0x15: {  	[tilespmem:s13], [sflag:$0x2] =	stream.indirect.gather [hbm4b:s3+s8], $0x80, s12, s8, $0xb8;
	[tilespmem:$0x18800] =	vst v63  }
0x16: {  	s20 =	simm.s32 $0x0  }
0x17: {  	[tilespmem:s15], [sflag:$0x2] =	stream.indirect.gather [hbm4b:s3+s8], $0x80, s14, s8, $0xb8;
	[tilespmem:$0x18800] =	vst v63  }
.LBB2_2:
0x18: {  	_ =	swait.ge [sflag:s16], $0x3200  }
0x19: {  	[sflag:s16] =	ssyncset.done $0x0  }
0x1a: {  	[sflag:s16] =	ssyncadd.s32 $0xFFFFCE00  }
0x1b: {  	_ =	swait.ge [sflag:s16], $0x3200  }
0x1c: {  	[sflag:s16] =	ssyncset.done $0x0  }
0x1d: {  	s21 =	simm.s32 $0x0;
	[sflag:s16] =	ssyncadd.s32 $0xFFFFCE00  }
0x1e: {  	v0 =	vld [tilespmem:s21+$0x8380]  }
0x1f: {  	v1 =	vld [tilespmem:s21+$0x8390]  }
0x20: {  	v2 =	vld [tilespmem:s21+$0x8300]  }
0x21: {  	v3 =	vld [tilespmem:s21+$0x8310]  }
0x22: {  	v4 =	vld [tilespmem:s21+$0x8280]  }
0x23: {  	v5 =	vld [tilespmem:s21+$0x8290]  }
0x24: {  	v6 =	vld [tilespmem:s21+$0x8200]  }
0x25: {  	v7 =	vld [tilespmem:s21+$0x8210]  }
0x26: {  	v9 =	vld [tilespmem:s21+$0x8180]  }
0x27: {  	v8 =	vld [tilespmem:s21+$0x8190]  }
0x28: {  	v11 =	vld [tilespmem:s21+$0x8100]  }
0x29: {  	v10 =	vld [tilespmem:s21+$0x8110]  }
0x2a: {  	v17 =	vld [tilespmem:s21+$0x8080]  }
0x2b: {  	v16 =	vld [tilespmem:s21+$0x8090]  }
0x2c: {  	v19 =	vld [tilespmem:s21+$0x8000]  }
0x2d: {  	v12 =	vimm.f32 $0.0e+00;
	v20 =	vld [tilespmem:s21+$0x8010]  }
0x2e: {  	s22 =	simm.s32 $0x1000;
	v15 =	vimm.f32 $0.0e+00;
	v14 =	vimm.f32 $0.0e+00;
	v13 =	vimm.f32 $0.0e+00;
	v18 =	vld [tilespmem:s21+$0x8020]  }
.LBB2_3:
0x2f: {  	p0 =	sne.s32 s22, $0x18000;
	v21 =	vld [tilespmem:s21+$0x8030]  }
0x30: {  	v22 =	vld [tilespmem:s21+$0x80A0]  }
0x31: {  	v23 =	vld [tilespmem:s21+$0x80B0]  }
0x32: {  	v24 =	vld [tilespmem:s21+$0x8120]  }
0x33: {  	v12 =	vadd.f32 v19, v12;
	v15 =	vadd.f32 v20, v15;
	v19 =	vld [tilespmem:s21+$0x8130]  }
0x34: {  	v14 =	vadd.f32 v18, v14;
	v13 =	vadd.f32 v21, v13;
	v18 =	vld [tilespmem:s21+$0x81A0]  }
0x35: {  	v12 =	vadd.f32 v17, v12;
	v15 =	vadd.f32 v16, v15;
	v16 =	vld [tilespmem:s21+$0x81B0]  }
0x36: {  	v14 =	vadd.f32 v22, v14;
	v13 =	vadd.f32 v23, v13;
	v17 =	vld [tilespmem:s21+$0x8220]  }
0x37: {  	v11 =	vadd.f32 v11, v12;
	v10 =	vadd.f32 v10, v15;
	v12 =	vld [tilespmem:s21+$0x8230]  }
0x38: {  	v14 =	vadd.f32 v24, v14;
	v13 =	vadd.f32 v19, v13;
	v15 =	vld [tilespmem:s21+$0x82A0]  }
0x39: {  	v9 =	vadd.f32 v9, v11;
	v8 =	vadd.f32 v8, v10;
	v10 =	vld [tilespmem:s21+$0x82B0]  }
0x3a: {  	v11 =	vadd.f32 v18, v14;
	v13 =	vadd.f32 v16, v13;
	v14 =	vld [tilespmem:s21+$0x8320]  }
0x3b: {  	v6 =	vadd.f32 v6, v9;
	v7 =	vadd.f32 v7, v8;
	v8 =	vld [tilespmem:s21+$0x8330]  }
0x3c: {  	v9 =	vadd.f32 v17, v11;
	v11 =	vadd.f32 v12, v13;
	v13 =	vld [tilespmem:s21+$0x83A0]  }
0x3d: {  	v4 =	vadd.f32 v4, v6;
	v5 =	vadd.f32 v5, v7;
	v6 =	vld [tilespmem:s21+$0x83B0];
	s21 =	sshra.s32 s22, $0x2  }
0x3e: {  	v9 =	vadd.f32 v15, v9;
	v7 =	vld [tilespmem:s21+$0x8380];
	v10 =	vadd.f32 v10, v11  }
0x3f: {  	v4 =	vadd.f32 v2, v4;
	v5 =	vadd.f32 v3, v5;
	v11 =	vld [tilespmem:s21+$0x8390]  }
0x40: {  	v9 =	vadd.f32 v14, v9;
	v2 =	vld [tilespmem:s21+$0x8300];
	v8 =	vadd.f32 v8, v10  }
0x41: {  	v12 =	vadd.f32 v0, v4;
	v15 =	vadd.f32 v1, v5;
	v3 =	vld [tilespmem:s21+$0x8310]  }
0x42: {  	v14 =	vadd.f32 v13, v9;
	v4 =	vld [tilespmem:s21+$0x8280];
	v13 =	vadd.f32 v6, v8  }
0x43: {  	v5 =	vld [tilespmem:s21+$0x8290];
	v0 =	vmov v7  }
0x44: {  	v6 =	vld [tilespmem:s21+$0x8200];
	v1 =	vmov v11  }
0x45: {  	v7 =	vld [tilespmem:s21+$0x8210]  }
0x46: {  	v9 =	vld [tilespmem:s21+$0x8180]  }
0x47: {  	v8 =	vld [tilespmem:s21+$0x8190]  }
0x48: {  	v11 =	vld [tilespmem:s21+$0x8100]  }
0x49: {  	v10 =	vld [tilespmem:s21+$0x8110]  }
.Ltmp0:
0x4a: {  	v17 =	vld [tilespmem:s21+$0x8080];
	(pc) =	sbr.rel @p0 .LBB2_3-.Ltmp0, $4  }
0x4b: {  	v16 =	vld [tilespmem:s21+$0x8090]  }
0x4c: {  	v19 =	vld [tilespmem:s21+$0x8000]  }
0x4d: {  	v20 =	vld [tilespmem:s21+$0x8010]  }
0x4e: {  	s22 =	sadd.s32 $0x1000, s22;
	v18 =	vld [tilespmem:s21+$0x8020]  }
0x4f: {  	v21 =	vld [tilespmem:s21+$0x8030]  }
0x50: {  	v22 =	vld [tilespmem:s21+$0x80A0]  }
0x51: {  	v23 =	vld [tilespmem:s21+$0x80B0];
	v12 =	vadd.f32 v19, v12  }
0x52: {  	v19 =	vld [tilespmem:s21+$0x8120];
	v15 =	vadd.f32 v20, v15  }
0x53: {  	v20 =	vld [tilespmem:s21+$0x8130];
	v14 =	vadd.f32 v18, v14;
	v12 =	vadd.f32 v17, v12  }
0x54: {  	v17 =	vld [tilespmem:s21+$0x81A0];
	v13 =	vadd.f32 v21, v13;
	v15 =	vadd.f32 v16, v15  }
0x55: {  	v16 =	vld [tilespmem:s21+$0x81B0];
	v14 =	vadd.f32 v22, v14;
	v11 =	vadd.f32 v11, v12  }
0x56: {  	v12 =	vadd.f32 v23, v13;
	v13 =	vld [tilespmem:s21+$0x8220];
	v10 =	vadd.f32 v10, v15  }
0x57: {  	v15 =	vld [tilespmem:s21+$0x8230];
	v14 =	vadd.f32 v19, v14;
	v9 =	vadd.f32 v9, v11  }
0x58: {  	v11 =	vadd.f32 v20, v12;
	v12 =	vld [tilespmem:s21+$0x82A0];
	v8 =	vadd.f32 v8, v10  }
0x59: {  	v10 =	vld [tilespmem:s21+$0x82B0];
	v14 =	vadd.f32 v17, v14;
	v6 =	vadd.f32 v6, v9  }
0x5a: {  	v9 =	vadd.f32 v16, v11;
	v11 =	vld [tilespmem:s21+$0x8320];
	v7 =	vadd.f32 v7, v8  }
0x5b: {  	v8 =	vld [tilespmem:s21+$0x8330];
	v13 =	vadd.f32 v13, v14;
	v4 =	vadd.f32 v4, v6  }
0x5c: {  	v6 =	vadd.f32 v15, v9;
	v9 =	vld [tilespmem:s21+$0x83A0];
	v5 =	vadd.f32 v5, v7  }
0x5d: {  	v7 =	vld [tilespmem:s21+$0x83B0];
	v12 =	vadd.f32 v12, v13;
	v2 =	vadd.f32 v2, v4  }
0x5e: {  	v4 =	vadd.f32 v10, v6;
	v3 =	vadd.f32 v3, v5  }
0x5f: {  	s30 =	sshll.u32 s20, $0x8;
	v5 =	vadd.f32 v11, v12;
	v0 =	vadd.f32 v0, v2  }
0x60: {  	s21 =	sand.u32 $0x3FFFFF00, s30;
	v2 =	vadd.f32 v8, v4;
	v1 =	vadd.f32 v1, v3  }
0x61: {  	v3 =	vadd.f32 v9, v5;
	[tilespmem:s21+$0x14800] =	vst v0  }
0x62: {  	s22 =	sshll.u32 s20, $0x9;
	v0 =	vadd.f32 v7, v2;
	[tilespmem:s21+$0x14810] =	vst v1  }
0x63: {  	s22 =	sand.u32 $0x3FFFFE00, s22;
	[tilespmem:s21+$0x14820] =	vst v3  }
0x64: {  	s23 =	sadd.s32 $0x200, s22;
	[tilespmem:s21+$0x14830] =	vst v0  }
0x65: {  	[tilespmem:s9], [sflag:$0x1] =	stream.indirect.gather [hbm4b:s3+s8], $0x80, s23, s8, $0xb8;
	[tilespmem:$0x18800] =	vst v63  }
0x66: {  	s31 =	sadd.s32 $0x280, s22  }
0x67: {  	[tilespmem:s11], [sflag:$0x1] =	stream.indirect.gather [hbm4b:s3+s8], $0x80, s31, s8, $0xb8;
	[tilespmem:$0x18800] =	vst v63  }
0x68: {  	_ =	swait.ge [sflag:s17], $0x3200  }
0x69: {  	[sflag:s17] =	ssyncset.done $0x0  }
0x6a: {  	[sflag:s17] =	ssyncadd.s32 $0xFFFFCE00  }
0x6b: {  	_ =	swait.ge [sflag:s17], $0x3200  }
0x6c: {  	[sflag:s17] =	ssyncset.done $0x0  }
0x6d: {  	s23 =	simm.s32 $0x0;
	[sflag:s17] =	ssyncadd.s32 $0xFFFFCE00  }
0x6e: {  	v0 =	vld [tilespmem:s23+$0xE780]  }
0x6f: {  	v1 =	vld [tilespmem:s23+$0xE790]  }
0x70: {  	v2 =	vld [tilespmem:s23+$0xE700]  }
0x71: {  	v3 =	vld [tilespmem:s23+$0xE710]  }
0x72: {  	v4 =	vld [tilespmem:s23+$0xE680]  }
0x73: {  	v5 =	vld [tilespmem:s23+$0xE690]  }
0x74: {  	v6 =	vld [tilespmem:s23+$0xE600]  }
0x75: {  	v7 =	vld [tilespmem:s23+$0xE610]  }
0x76: {  	v9 =	vld [tilespmem:s23+$0xE580]  }
0x77: {  	v8 =	vld [tilespmem:s23+$0xE590]  }
0x78: {  	v11 =	vld [tilespmem:s23+$0xE500]  }
0x79: {  	v10 =	vld [tilespmem:s23+$0xE510]  }
0x7a: {  	v17 =	vld [tilespmem:s23+$0xE480]  }
0x7b: {  	v16 =	vld [tilespmem:s23+$0xE490]  }
0x7c: {  	v19 =	vld [tilespmem:s23+$0xE400]  }
0x7d: {  	v14 =	vimm.f32 $0.0e+00;
	v20 =	vld [tilespmem:s23+$0xE410]  }
0x7e: {  	s24 =	simm.s32 $0x1000;
	v15 =	vimm.f32 $0.0e+00;
	v13 =	vimm.f32 $0.0e+00;
	v12 =	vimm.f32 $0.0e+00;
	v18 =	vld [tilespmem:s23+$0xE420]  }
.LBB2_5:
0x7f: {  	p0 =	sne.s32 s24, $0x18000;
	v21 =	vld [tilespmem:s23+$0xE430]  }
0x80: {  	v22 =	vld [tilespmem:s23+$0xE4A0]  }
0x81: {  	v23 =	vld [tilespmem:s23+$0xE4B0]  }
0x82: {  	v24 =	vld [tilespmem:s23+$0xE520]  }
0x83: {  	v12 =	vadd.f32 v19, v12;
	v15 =	vadd.f32 v20, v15;
	v19 =	vld [tilespmem:s23+$0xE530]  }
0x84: {  	v14 =	vadd.f32 v18, v14;
	v13 =	vadd.f32 v21, v13;
	v18 =	vld [tilespmem:s23+$0xE5A0]  }
0x85: {  	v12 =	vadd.f32 v17, v12;
	v15 =	vadd.f32 v16, v15;
	v16 =	vld [tilespmem:s23+$0xE5B0]  }
0x86: {  	v14 =	vadd.f32 v22, v14;
	v13 =	vadd.f32 v23, v13;
	v17 =	vld [tilespmem:s23+$0xE620]  }
0x87: {  	v11 =	vadd.f32 v11, v12;
	v10 =	vadd.f32 v10, v15;
	v12 =	vld [tilespmem:s23+$0xE630]  }
0x88: {  	v14 =	vadd.f32 v24, v14;
	v13 =	vadd.f32 v19, v13;
	v15 =	vld [tilespmem:s23+$0xE6A0]  }
0x89: {  	v9 =	vadd.f32 v9, v11;
	v8 =	vadd.f32 v8, v10;
	v10 =	vld [tilespmem:s23+$0xE6B0]  }
0x8a: {  	v11 =	vadd.f32 v18, v14;
	v13 =	vadd.f32 v16, v13;
	v14 =	vld [tilespmem:s23+$0xE720]  }
0x8b: {  	v6 =	vadd.f32 v6, v9;
	v7 =	vadd.f32 v7, v8;
	v8 =	vld [tilespmem:s23+$0xE730]  }
0x8c: {  	v9 =	vadd.f32 v17, v11;
	v11 =	vadd.f32 v12, v13;
	v13 =	vld [tilespmem:s23+$0xE7A0]  }
0x8d: {  	v4 =	vadd.f32 v4, v6;
	v5 =	vadd.f32 v5, v7;
	v6 =	vld [tilespmem:s23+$0xE7B0];
	s23 =	sshra.s32 s24, $0x2  }
0x8e: {  	v9 =	vadd.f32 v15, v9;
	v7 =	vld [tilespmem:s23+$0xE780];
	v10 =	vadd.f32 v10, v11  }
0x8f: {  	v4 =	vadd.f32 v2, v4;
	v5 =	vadd.f32 v3, v5;
	v11 =	vld [tilespmem:s23+$0xE790]  }
0x90: {  	v9 =	vadd.f32 v14, v9;
	v2 =	vld [tilespmem:s23+$0xE700];
	v8 =	vadd.f32 v8, v10  }
0x91: {  	v12 =	vadd.f32 v0, v4;
	v15 =	vadd.f32 v1, v5;
	v3 =	vld [tilespmem:s23+$0xE710]  }
0x92: {  	v14 =	vadd.f32 v13, v9;
	v4 =	vld [tilespmem:s23+$0xE680];
	v13 =	vadd.f32 v6, v8  }
0x93: {  	v5 =	vld [tilespmem:s23+$0xE690];
	v0 =	vmov v7  }
0x94: {  	v6 =	vld [tilespmem:s23+$0xE600];
	v1 =	vmov v11  }
0x95: {  	v7 =	vld [tilespmem:s23+$0xE610]  }
0x96: {  	v9 =	vld [tilespmem:s23+$0xE580]  }
0x97: {  	v8 =	vld [tilespmem:s23+$0xE590]  }
0x98: {  	v11 =	vld [tilespmem:s23+$0xE500]  }
0x99: {  	v10 =	vld [tilespmem:s23+$0xE510]  }
.Ltmp1:
0x9a: {  	v17 =	vld [tilespmem:s23+$0xE480];
	(pc) =	sbr.rel @p0 .LBB2_5-.Ltmp1, $4  }
0x9b: {  	v16 =	vld [tilespmem:s23+$0xE490]  }
0x9c: {  	v19 =	vld [tilespmem:s23+$0xE400]  }
0x9d: {  	v20 =	vld [tilespmem:s23+$0xE410]  }
0x9e: {  	s24 =	sadd.s32 $0x1000, s24;
	v18 =	vld [tilespmem:s23+$0xE420]  }
0x9f: {  	v21 =	vld [tilespmem:s23+$0xE430]  }
0xa0: {  	v22 =	vld [tilespmem:s23+$0xE4A0]  }
0xa1: {  	v23 =	vld [tilespmem:s23+$0xE4B0];
	v12 =	vadd.f32 v19, v12  }
0xa2: {  	v43 =	vld [tilespmem:s23+$0xE520];
	v15 =	vadd.f32 v20, v15  }
0xa3: {  	v44 =	vld [tilespmem:s23+$0xE530];
	v14 =	vadd.f32 v18, v14;
	v12 =	vadd.f32 v17, v12  }
0xa4: {  	v45 =	vld [tilespmem:s23+$0xE5A0];
	v13 =	vadd.f32 v21, v13;
	v15 =	vadd.f32 v16, v15  }
0xa5: {  	v46 =	vld [tilespmem:s23+$0xE5B0];
	v14 =	vadd.f32 v22, v14;
	v11 =	vadd.f32 v11, v12  }
0xa6: {  	v48 =	vld [tilespmem:s23+$0xE620];
	v47 =	vadd.f32 v23, v13;
	v10 =	vadd.f32 v10, v15  }
0xa7: {  	v49 =	vld [tilespmem:s23+$0xE630];
	v14 =	vadd.f32 v43, v14;
	v9 =	vadd.f32 v9, v11  }
0xa8: {  	v51 =	vld [tilespmem:s23+$0xE6A0];
	v50 =	vadd.f32 v44, v47;
	v8 =	vadd.f32 v8, v10  }
0xa9: {  	v52 =	vld [tilespmem:s23+$0xE6B0];
	v14 =	vadd.f32 v45, v14;
	v6 =	vadd.f32 v6, v9  }
0xaa: {  	v54 =	vld [tilespmem:s23+$0xE720];
	v53 =	vadd.f32 v46, v50;
	v7 =	vadd.f32 v7, v8  }
0xab: {  	v55 =	vld [tilespmem:s23+$0xE730];
	v13 =	vadd.f32 v48, v14;
	v4 =	vadd.f32 v4, v6  }
0xac: {  	v57 =	vld [tilespmem:s23+$0xE7A0];
	v56 =	vadd.f32 v49, v53;
	v5 =	vadd.f32 v5, v7  }
0xad: {  	v58 =	vld [tilespmem:s23+$0xE7B0];
	v12 =	vadd.f32 v51, v13;
	v2 =	vadd.f32 v2, v4  }
0xae: {  	v59 =	vadd.f32 v52, v56;
	v3 =	vadd.f32 v3, v5  }
0xaf: {  	v60 =	vadd.f32 v54, v12;
	v0 =	vadd.f32 v0, v2  }
0xb0: {  	v61 =	vadd.f32 v55, v59;
	v1 =	vadd.f32 v1, v3  }
0xb1: {  	s20 =	sadd.s32 $0x1, s20;
	v62 =	vadd.f32 v57, v60;
	[tilespmem:s21+$0x14880] =	vst v0  }
0xb2: {  	p0 =	sne.s32 s20, $0x3F;
	v63 =	vadd.f32 v58, v61;
	[tilespmem:s21+$0x14890] =	vst v1  }
.Ltmp2:
0xb3: {  	[tilespmem:s21+$0x148A0] =	vst v62;
	(pc) =	sbr.rel @p0 .LBB2_2-.Ltmp2, $4  }
0xb4: {  	s30 =	sadd.s32 $0x300, s22;
	[tilespmem:s21+$0x148B0] =	vst v63  }
0xb5: {  	[tilespmem:s13], [sflag:$0x2] =	stream.indirect.gather [hbm4b:s3+s8], $0x80, s30, s8, $0xb8;
	[tilespmem:$0x18800] =	vst v63  }
0xb6: {  	s31 =	sadd.s32 $0x380, s22  }
0xb7: {  	[tilespmem:s15], [sflag:$0x2] =	stream.indirect.gather [hbm4b:s3+s8], $0x80, s31, s8, $0xb8;
	[tilespmem:$0x18800] =	vst v63  }
0xb8: {  	_ =	swait.ge [sflag:s16], $0x3200  }
0xb9: {  	[sflag:s16] =	ssyncset.done $0x0  }
0xba: {  	[sflag:s16] =	ssyncadd.s32 $0xFFFFCE00  }
0xbb: {  	_ =	swait.ge [sflag:s16], $0x3200  }
0xbc: {  	[sflag:s16] =	ssyncset.done $0x0  }
0xbd: {  	s20 =	simm.s32 $0x0;
	[sflag:s16] =	ssyncadd.s32 $0xFFFFCE00  }
0xbe: {  	v0 =	vld [tilespmem:s20+$0x8380]  }
0xbf: {  	v1 =	vld [tilespmem:s20+$0x8390]  }
0xc0: {  	v2 =	vld [tilespmem:s20+$0x8300]  }
0xc1: {  	v3 =	vld [tilespmem:s20+$0x8310]  }
0xc2: {  	v4 =	vld [tilespmem:s20+$0x8280]  }
0xc3: {  	v5 =	vld [tilespmem:s20+$0x8290]  }
0xc4: {  	v6 =	vld [tilespmem:s20+$0x8200]  }
0xc5: {  	v7 =	vld [tilespmem:s20+$0x8210]  }
0xc6: {  	v9 =	vld [tilespmem:s20+$0x8180]  }
0xc7: {  	v8 =	vld [tilespmem:s20+$0x8190]  }
0xc8: {  	v11 =	vld [tilespmem:s20+$0x8100]  }
0xc9: {  	v10 =	vld [tilespmem:s20+$0x8110]  }
0xca: {  	v17 =	vld [tilespmem:s20+$0x8080]  }
0xcb: {  	v16 =	vld [tilespmem:s20+$0x8090]  }
0xcc: {  	v19 =	vld [tilespmem:s20+$0x8000]  }
0xcd: {  	v12 =	vimm.f32 $0.0e+00;
	v20 =	vld [tilespmem:s20+$0x8010]  }
0xce: {  	s21 =	simm.s32 $0x1000;
	v15 =	vimm.f32 $0.0e+00;
	v14 =	vimm.f32 $0.0e+00;
	v13 =	vimm.f32 $0.0e+00;
	v18 =	vld [tilespmem:s20+$0x8020]  }
.LBB2_8:
0xcf: {  	p0 =	sne.s32 s21, $0x18000;
	v21 =	vld [tilespmem:s20+$0x8030]  }
0xd0: {  	v22 =	vld [tilespmem:s20+$0x80A0]  }
0xd1: {  	v23 =	vld [tilespmem:s20+$0x80B0]  }
0xd2: {  	v24 =	vld [tilespmem:s20+$0x8120]  }
0xd3: {  	v12 =	vadd.f32 v19, v12;
	v15 =	vadd.f32 v20, v15;
	v19 =	vld [tilespmem:s20+$0x8130]  }
0xd4: {  	v14 =	vadd.f32 v18, v14;
	v13 =	vadd.f32 v21, v13;
	v18 =	vld [tilespmem:s20+$0x81A0]  }
0xd5: {  	v12 =	vadd.f32 v17, v12;
	v15 =	vadd.f32 v16, v15;
	v16 =	vld [tilespmem:s20+$0x81B0]  }
0xd6: {  	v14 =	vadd.f32 v22, v14;
	v13 =	vadd.f32 v23, v13;
	v17 =	vld [tilespmem:s20+$0x8220]  }
0xd7: {  	v11 =	vadd.f32 v11, v12;
	v10 =	vadd.f32 v10, v15;
	v12 =	vld [tilespmem:s20+$0x8230]  }
0xd8: {  	v14 =	vadd.f32 v24, v14;
	v13 =	vadd.f32 v19, v13;
	v15 =	vld [tilespmem:s20+$0x82A0]  }
0xd9: {  	v9 =	vadd.f32 v9, v11;
	v8 =	vadd.f32 v8, v10;
	v10 =	vld [tilespmem:s20+$0x82B0]  }
0xda: {  	v11 =	vadd.f32 v18, v14;
	v13 =	vadd.f32 v16, v13;
	v14 =	vld [tilespmem:s20+$0x8320]  }
0xdb: {  	v6 =	vadd.f32 v6, v9;
	v7 =	vadd.f32 v7, v8;
	v8 =	vld [tilespmem:s20+$0x8330]  }
0xdc: {  	v9 =	vadd.f32 v17, v11;
	v11 =	vadd.f32 v12, v13;
	v13 =	vld [tilespmem:s20+$0x83A0]  }
0xdd: {  	v4 =	vadd.f32 v4, v6;
	v5 =	vadd.f32 v5, v7;
	v6 =	vld [tilespmem:s20+$0x83B0];
	s20 =	sshra.s32 s21, $0x2  }
0xde: {  	v9 =	vadd.f32 v15, v9;
	v7 =	vld [tilespmem:s20+$0x8380];
	v10 =	vadd.f32 v10, v11  }
0xdf: {  	v4 =	vadd.f32 v2, v4;
	v5 =	vadd.f32 v3, v5;
	v11 =	vld [tilespmem:s20+$0x8390]  }
0xe0: {  	v9 =	vadd.f32 v14, v9;
	v2 =	vld [tilespmem:s20+$0x8300];
	v8 =	vadd.f32 v8, v10  }
0xe1: {  	v12 =	vadd.f32 v0, v4;
	v15 =	vadd.f32 v1, v5;
	v3 =	vld [tilespmem:s20+$0x8310]  }
0xe2: {  	v14 =	vadd.f32 v13, v9;
	v4 =	vld [tilespmem:s20+$0x8280];
	v13 =	vadd.f32 v6, v8  }
0xe3: {  	v5 =	vld [tilespmem:s20+$0x8290];
	v0 =	vmov v7  }
0xe4: {  	v6 =	vld [tilespmem:s20+$0x8200];
	v1 =	vmov v11  }
0xe5: {  	v7 =	vld [tilespmem:s20+$0x8210]  }
0xe6: {  	v9 =	vld [tilespmem:s20+$0x8180]  }
0xe7: {  	v8 =	vld [tilespmem:s20+$0x8190]  }
0xe8: {  	v11 =	vld [tilespmem:s20+$0x8100]  }
0xe9: {  	v10 =	vld [tilespmem:s20+$0x8110]  }
.Ltmp3:
0xea: {  	v17 =	vld [tilespmem:s20+$0x8080];
	(pc) =	sbr.rel @p0 .LBB2_8-.Ltmp3, $4  }
0xeb: {  	v16 =	vld [tilespmem:s20+$0x8090]  }
0xec: {  	v19 =	vld [tilespmem:s20+$0x8000]  }
0xed: {  	v20 =	vld [tilespmem:s20+$0x8010]  }
0xee: {  	s21 =	sadd.s32 $0x1000, s21;
	v18 =	vld [tilespmem:s20+$0x8020]  }
0xef: {  	v21 =	vld [tilespmem:s20+$0x8030]  }
0xf0: {  	v22 =	vld [tilespmem:s20+$0x80A0]  }
0xf1: {  	v23 =	vld [tilespmem:s20+$0x80B0];
	v12 =	vadd.f32 v19, v12  }
0xf2: {  	v19 =	vld [tilespmem:s20+$0x8120];
	v15 =	vadd.f32 v20, v15  }
0xf3: {  	v20 =	vld [tilespmem:s20+$0x8130];
	v14 =	vadd.f32 v18, v14;
	v12 =	vadd.f32 v17, v12  }
0xf4: {  	v17 =	vld [tilespmem:s20+$0x81A0];
	v13 =	vadd.f32 v21, v13;
	v15 =	vadd.f32 v16, v15  }
0xf5: {  	v16 =	vld [tilespmem:s20+$0x81B0];
	v14 =	vadd.f32 v22, v14;
	v11 =	vadd.f32 v11, v12  }
0xf6: {  	v12 =	vadd.f32 v23, v13;
	v13 =	vld [tilespmem:s20+$0x8220];
	v10 =	vadd.f32 v10, v15  }
0xf7: {  	v15 =	vld [tilespmem:s20+$0x8230];
	v14 =	vadd.f32 v19, v14;
	v9 =	vadd.f32 v9, v11  }
0xf8: {  	v11 =	vadd.f32 v20, v12;
	v12 =	vld [tilespmem:s20+$0x82A0];
	v8 =	vadd.f32 v8, v10  }
0xf9: {  	v10 =	vld [tilespmem:s20+$0x82B0];
	v14 =	vadd.f32 v17, v14;
	v6 =	vadd.f32 v6, v9  }
0xfa: {  	v9 =	vadd.f32 v16, v11;
	v11 =	vld [tilespmem:s20+$0x8320];
	v7 =	vadd.f32 v7, v8  }
0xfb: {  	v8 =	vld [tilespmem:s20+$0x8330];
	v13 =	vadd.f32 v13, v14;
	v4 =	vadd.f32 v4, v6  }
0xfc: {  	v6 =	vadd.f32 v15, v9;
	v9 =	vld [tilespmem:s20+$0x83A0];
	v5 =	vadd.f32 v5, v7  }
0xfd: {  	v7 =	vld [tilespmem:s20+$0x83B0];
	v12 =	vadd.f32 v12, v13;
	v2 =	vadd.f32 v2, v4  }
0xfe: {  	v4 =	vadd.f32 v10, v6;
	v3 =	vadd.f32 v3, v5  }
0xff: {  	v5 =	vadd.f32 v11, v12;
	v0 =	vadd.f32 v0, v2  }
0x100: {  	v2 =	vadd.f32 v8, v4;
	v1 =	vadd.f32 v1, v3  }
0x101: {  	v3 =	vadd.f32 v9, v5;
	[tilespmem:$0x18700] =	vst v0  }
0x102: {  	v0 =	vadd.f32 v7, v2;
	[tilespmem:$0x18710] =	vst v1  }
0x103: {  	[tilespmem:$0x18720] =	vst v3  }
0x104: {  	[tilespmem:$0x18730] =	vst v0  }
0x105: {  	_ =	swait.ge [sflag:s17], $0x3200  }
0x106: {  	[sflag:s17] =	ssyncset.done $0x0  }
0x107: {  	[sflag:s17] =	ssyncadd.s32 $0xFFFFCE00  }
0x108: {  	_ =	swait.ge [sflag:s17], $0x3200  }
0x109: {  	[sflag:s17] =	ssyncset.done $0x0  }
0x10a: {  	s20 =	simm.s32 $0x0;
	[sflag:s17] =	ssyncadd.s32 $0xFFFFCE00  }
0x10b: {  	v0 =	vld [tilespmem:s20+$0xE780]  }
0x10c: {  	v1 =	vld [tilespmem:s20+$0xE790]  }
0x10d: {  	v2 =	vld [tilespmem:s20+$0xE700]  }
0x10e: {  	v3 =	vld [tilespmem:s20+$0xE710]  }
0x10f: {  	v4 =	vld [tilespmem:s20+$0xE680]  }
0x110: {  	v5 =	vld [tilespmem:s20+$0xE690]  }
0x111: {  	v6 =	vld [tilespmem:s20+$0xE600]  }
0x112: {  	v7 =	vld [tilespmem:s20+$0xE610]  }
0x113: {  	v9 =	vld [tilespmem:s20+$0xE580]  }
0x114: {  	v8 =	vld [tilespmem:s20+$0xE590]  }
0x115: {  	v11 =	vld [tilespmem:s20+$0xE500]  }
0x116: {  	v10 =	vld [tilespmem:s20+$0xE510]  }
0x117: {  	v17 =	vld [tilespmem:s20+$0xE480]  }
0x118: {  	v16 =	vld [tilespmem:s20+$0xE490]  }
0x119: {  	v19 =	vld [tilespmem:s20+$0xE400]  }
0x11a: {  	v14 =	vimm.f32 $0.0e+00;
	v20 =	vld [tilespmem:s20+$0xE410]  }
0x11b: {  	s21 =	simm.s32 $0x1000;
	v15 =	vimm.f32 $0.0e+00;
	v13 =	vimm.f32 $0.0e+00;
	v12 =	vimm.f32 $0.0e+00;
	v18 =	vld [tilespmem:s20+$0xE420]  }
.LBB2_10:
0x11c: {  	p0 =	sne.s32 s21, $0x18000;
	v21 =	vld [tilespmem:s20+$0xE430]  }
0x11d: {  	v22 =	vld [tilespmem:s20+$0xE4A0]  }
0x11e: {  	v23 =	vld [tilespmem:s20+$0xE4B0]  }
0x11f: {  	v24 =	vld [tilespmem:s20+$0xE520]  }
0x120: {  	v12 =	vadd.f32 v19, v12;
	v15 =	vadd.f32 v20, v15;
	v19 =	vld [tilespmem:s20+$0xE530]  }
0x121: {  	v14 =	vadd.f32 v18, v14;
	v13 =	vadd.f32 v21, v13;
	v18 =	vld [tilespmem:s20+$0xE5A0]  }
0x122: {  	v12 =	vadd.f32 v17, v12;
	v15 =	vadd.f32 v16, v15;
	v16 =	vld [tilespmem:s20+$0xE5B0]  }
0x123: {  	v14 =	vadd.f32 v22, v14;
	v13 =	vadd.f32 v23, v13;
	v17 =	vld [tilespmem:s20+$0xE620]  }
0x124: {  	v11 =	vadd.f32 v11, v12;
	v10 =	vadd.f32 v10, v15;
	v12 =	vld [tilespmem:s20+$0xE630]  }
0x125: {  	v14 =	vadd.f32 v24, v14;
	v13 =	vadd.f32 v19, v13;
	v15 =	vld [tilespmem:s20+$0xE6A0]  }
0x126: {  	v9 =	vadd.f32 v9, v11;
	v8 =	vadd.f32 v8, v10;
	v10 =	vld [tilespmem:s20+$0xE6B0]  }
0x127: {  	v11 =	vadd.f32 v18, v14;
	v13 =	vadd.f32 v16, v13;
	v14 =	vld [tilespmem:s20+$0xE720]  }
0x128: {  	v6 =	vadd.f32 v6, v9;
	v7 =	vadd.f32 v7, v8;
	v8 =	vld [tilespmem:s20+$0xE730]  }
0x129: {  	v9 =	vadd.f32 v17, v11;
	v11 =	vadd.f32 v12, v13;
	v13 =	vld [tilespmem:s20+$0xE7A0]  }
0x12a: {  	v4 =	vadd.f32 v4, v6;
	v5 =	vadd.f32 v5, v7;
	v6 =	vld [tilespmem:s20+$0xE7B0];
	s20 =	sshra.s32 s21, $0x2  }
0x12b: {  	v9 =	vadd.f32 v15, v9;
	v7 =	vld [tilespmem:s20+$0xE780];
	v10 =	vadd.f32 v10, v11  }
0x12c: {  	v4 =	vadd.f32 v2, v4;
	v5 =	vadd.f32 v3, v5;
	v11 =	vld [tilespmem:s20+$0xE790]  }
0x12d: {  	v9 =	vadd.f32 v14, v9;
	v2 =	vld [tilespmem:s20+$0xE700];
	v8 =	vadd.f32 v8, v10  }
0x12e: {  	v12 =	vadd.f32 v0, v4;
	v15 =	vadd.f32 v1, v5;
	v3 =	vld [tilespmem:s20+$0xE710]  }
0x12f: {  	v14 =	vadd.f32 v13, v9;
	v4 =	vld [tilespmem:s20+$0xE680];
	v13 =	vadd.f32 v6, v8  }
0x130: {  	v5 =	vld [tilespmem:s20+$0xE690];
	v0 =	vmov v7  }
0x131: {  	v6 =	vld [tilespmem:s20+$0xE600];
	v1 =	vmov v11  }
0x132: {  	v7 =	vld [tilespmem:s20+$0xE610]  }
0x133: {  	v9 =	vld [tilespmem:s20+$0xE580]  }
0x134: {  	v8 =	vld [tilespmem:s20+$0xE590]  }
0x135: {  	v11 =	vld [tilespmem:s20+$0xE500]  }
0x136: {  	v10 =	vld [tilespmem:s20+$0xE510]  }
.Ltmp4:
0x137: {  	v17 =	vld [tilespmem:s20+$0xE480];
	(pc) =	sbr.rel @p0 .LBB2_10-.Ltmp4, $4  }
0x138: {  	v16 =	vld [tilespmem:s20+$0xE490]  }
0x139: {  	v19 =	vld [tilespmem:s20+$0xE400]  }
0x13a: {  	v20 =	vld [tilespmem:s20+$0xE410]  }
0x13b: {  	s21 =	sadd.s32 $0x1000, s21;
	v18 =	vld [tilespmem:s20+$0xE420]  }
0x13c: {  	v21 =	vld [tilespmem:s20+$0xE430]  }
0x13d: {  	v22 =	vld [tilespmem:s20+$0xE4A0]  }
0x13e: {  	v23 =	vld [tilespmem:s20+$0xE4B0];
	v12 =	vadd.f32 v19, v12  }
0x13f: {  	v43 =	vld [tilespmem:s20+$0xE520];
	v15 =	vadd.f32 v20, v15  }
0x140: {  	v44 =	vld [tilespmem:s20+$0xE530];
	v14 =	vadd.f32 v18, v14;
	v12 =	vadd.f32 v17, v12  }
0x141: {  	v45 =	vld [tilespmem:s20+$0xE5A0];
	v13 =	vadd.f32 v21, v13;
	v15 =	vadd.f32 v16, v15  }
0x142: {  	v46 =	vld [tilespmem:s20+$0xE5B0];
	v14 =	vadd.f32 v22, v14;
	v11 =	vadd.f32 v11, v12  }
0x143: {  	v48 =	vld [tilespmem:s20+$0xE620];
	v47 =	vadd.f32 v23, v13;
	v10 =	vadd.f32 v10, v15  }
0x144: {  	v49 =	vld [tilespmem:s20+$0xE630];
	v14 =	vadd.f32 v43, v14;
	v9 =	vadd.f32 v9, v11  }
0x145: {  	v51 =	vld [tilespmem:s20+$0xE6A0];
	v50 =	vadd.f32 v44, v47;
	v8 =	vadd.f32 v8, v10  }
0x146: {  	v52 =	vld [tilespmem:s20+$0xE6B0];
	v14 =	vadd.f32 v45, v14;
	v6 =	vadd.f32 v6, v9  }
0x147: {  	v54 =	vld [tilespmem:s20+$0xE720];
	v53 =	vadd.f32 v46, v50;
	v7 =	vadd.f32 v7, v8  }
0x148: {  	v55 =	vld [tilespmem:s20+$0xE730];
	v13 =	vadd.f32 v48, v14;
	v4 =	vadd.f32 v4, v6  }
0x149: {  	v57 =	vld [tilespmem:s20+$0xE7A0];
	v56 =	vadd.f32 v49, v53;
	v5 =	vadd.f32 v5, v7  }
0x14a: {  	v58 =	vld [tilespmem:s20+$0xE7B0];
	v12 =	vadd.f32 v51, v13;
	v2 =	vadd.f32 v2, v4  }
0x14b: {  	v59 =	vadd.f32 v52, v56;
	v3 =	vadd.f32 v3, v5  }
0x14c: {  	v60 =	vadd.f32 v54, v12;
	v0 =	vadd.f32 v0, v2  }
0x14d: {  	v61 =	vadd.f32 v55, v59;
	v1 =	vadd.f32 v1, v3  }
0x14e: {  	v62 =	vadd.f32 v57, v60;
	[tilespmem:$0x18780] =	vst v0  }
0x14f: {  	s19 =	sadd.s32 $0x1, s19;
	v63 =	vadd.f32 v58, v61;
	[tilespmem:$0x18790] =	vst v1  }
0x150: {  	p0 =	sne.s32 s19, s6;
	[tilespmem:$0x187A0] =	vst v62  }
.Ltmp5:
0x151: {  	[tilespmem:$0x187B0] =	vst v63;
	(pc) =	sbr.rel @p0 .LBB2_1-.Ltmp5, $4  }
0x152: {  	[hbm4b:s5+s2] =	stream.linear.scatter [tilespmem:s18], [sflag:$0x3], $0x4000, $0x38;
	[tilespmem:$0x18800] =	vst v63  }
0x153: {  	_ =	swait.ge [sflag:s7], $0x4000  }
0x154: {  	[sflag:s7] =	ssyncset.done $0x0  }
0x155: {  	[sflag:s7] =	ssyncadd.s32 $0xFFFFC000  }
0x156: {  	_ =	sfence.sel $0x180000  }
0x157: {  	[bflag:$0x0] =	sbarrier.arrive $0xFFFF  }
0x158: {  	p0 =	sne.s32 s0, $0x0;
	_ =	strace $0x90000047  }
0x159: {  	s0 =	sadd.s32 @!p0 $0x100000, s1;
	[bflag:$0x2] =	sbarrier.arrive $0xFFFF  }
0x15a: {  	[sflag:s0] =	ssyncadd.tile.s32 @!p0 $0x1;
	_ =	shalt  }
.Lfunc_end2:
_tile_overlayer_lowered:
.L_overlay_start_2:
0x15b: {  	(tag) =	ssettag $0x2  }
0x15c: {  	s0 =	rddreg [dreg:$0x0];
	s2 =	stileid.u32  }
0x15d: {  	s1 =	rddreg [dreg:$0x1];
	p0 =	sne.s32 s2, $0x0  }
0x15e: {  	s3 =	rddreg [dreg:$0x2];
	[bflag:$0x3] =	sbarrier.arrive $0xFFFF;
	s2 =	simm.s32 @!p0 $0x1C03  }
0x15f: {  	[timem:s3], [sflag:s2] =	dma.local @!p0 [hbm:s0], s1  }
0x160: {  	s0 =	simm.s32 @!p0 $0x3  }
0x161: {  	_ =	swait.ge @!p0 [sflag:s0], s1  }
0x162: {  	s1 =	ssub.s32 @!p0 $0x0, s1;
	[sflag:s0] =	ssyncset.done @!p0 $0x0  }
0x163: {  	[sflag:s0] =	ssyncadd.s32 @!p0 s1  }
0x164: {  	[bflag:$0x3] =	sbarrier.arrive $0xFFFF  }
0x165: {  	_ =	shalt  }

</sc_bundles>
